<compile_context>
chip_gen: v7x
topology: tpu7x:2x2x1
jax: 0.10.2.dev20260603
libtpu: 0.0.44.dev20260713+nightly
codegen_flags: <defaults>
</compile_context>

<pallas_src>
import functools

import jax
import jax.numpy as jnp
from jax import lax
from jax.experimental import pallas as pl
from jax.experimental.pallas import tpu as pltpu
from jax.experimental.pallas import tpu_sc as plsc

B, T, D = 1, 2048, 768
C = 100000
K = 16
G = 128
C_BLK = 512
N_CBLK = 196
C_PAD = N_CBLK * C_BLK
GPB = C_BLK // G
N_GRP = C_PAD // G
NEG = -3.0e38
NW = 32
TPW = T // NW
BIG_I = 2**30



def _matmul_kernel(h_ref, w_ref, logits_ref, gmax_ref):
    j = pl.program_id(0)
    acc = lax.dot_general(
        h_ref[...], w_ref[...],
        dimension_numbers=(((1,), (1,)), ((), ())),
        preferred_element_type=jnp.float32,
    )
    col = j * C_BLK + lax.broadcasted_iota(jnp.int32, (T, C_BLK), 1)
    acc = jnp.where(col < C, acc, NEG)
    logits_ref[...] = acc
    m = jnp.max(acc.reshape(T, GPB, G), axis=2)
    gmax_ref[...] = m.T.reshape(1, GPB, T)


def _logits_and_gmax(hidden2d, W_pred):
    return pl.pallas_call(
        _matmul_kernel,
        grid=(N_CBLK,),
        in_specs=[
            pl.BlockSpec((T, D), lambda j: (0, 0)),
            pl.BlockSpec((C_BLK, D), lambda j: (j, 0)),
        ],
        out_specs=[
            pl.BlockSpec((T, C_BLK), lambda j: (0, j)),
            pl.BlockSpec((1, GPB, T), lambda j: (j, 0, 0)),
        ],
        out_shape=[
            jax.ShapeDtypeStruct((T, C_PAD), jnp.float32),
            jax.ShapeDtypeStruct((N_CBLK, GPB, T), jnp.float32),
        ],
        compiler_params=pltpu.CompilerParams(
            dimension_semantics=("parallel",)),
    )(hidden2d, W_pred)



T_BLK2 = 256


def _top_groups_kernel(g_ref, vals_ref, idxs_ref):
    g = g_ref[...]
    jb = lax.broadcasted_iota(jnp.int32, (N_CBLK, GPB, T_BLK2), 0)
    q = lax.broadcasted_iota(jnp.int32, (N_CBLK, GPB, T_BLK2), 1)
    gid = jb * GPB + q
    ms, ids = [], []
    for _ in range(K):
        m = jnp.max(jnp.max(g, axis=1), axis=0)
        mb = m[None, None, :]
        cand = jnp.where(g == mb, gid, BIG_I)
        idx = jnp.min(jnp.min(cand, axis=1), axis=0)
        g = jnp.where(gid == idx[None, None, :], NEG, g)
        ms.append(m)
        ids.append(idx)
    vals_ref[...] = jnp.stack(ms, axis=0)
    idxs_ref[...] = jnp.stack(ids, axis=0)


def _top_groups(gmax3):
    return pl.pallas_call(
        _top_groups_kernel,
        grid=(T // T_BLK2,),
        in_specs=[pl.BlockSpec((N_CBLK, GPB, T_BLK2), lambda i: (0, 0, i))],
        out_specs=[
            pl.BlockSpec((K, T_BLK2), lambda i: (0, i)),
            pl.BlockSpec((K, T_BLK2), lambda i: (0, i)),
        ],
        out_shape=[
            jax.ShapeDtypeStruct((K, T), jnp.float32),
            jax.ShapeDtypeStruct((K, T), jnp.int32),
        ],
        compiler_params=pltpu.CompilerParams(
            dimension_semantics=("parallel",)),
    )(gmax3)



def _bcast_lane(vec, i):
    idx = jnp.broadcast_to(jnp.asarray(i, jnp.int32), (K,))
    dnums = lax.GatherDimensionNumbers(
        offset_dims=(), collapsed_slice_dims=(0,), start_index_map=(0,))
    return lax.gather(vec, idx[:, None], dnums, slice_sizes=(1,),
                      mode=lax.GatherScatterMode.PROMISE_IN_BOUNDS)


def _merge(run_v, run_i, ch_v, ch_i):
    ch_v, ch_i = plsc.sort_key_val(ch_v, ch_i)
    cond = (run_v > ch_v) | ((run_v == ch_v) & (run_i < ch_i))
    hi_v = jnp.where(cond, run_v, ch_v)
    hi_i = jnp.where(cond, run_i, ch_i)
    out_v, out_i = plsc.sort_key_val(hi_v, hi_i, descending=True)
    return out_v, out_i


def _sc_kernel(lrows, g16i, emb, feat, tki, tkl,
               gidx_s, rows_v, erows_v, feats_s, tki_s, tkl_s, sem):
    cid = lax.axis_index("c")
    sid = lax.axis_index("s")
    wid = sid * 2 + cid
    lane = lax.broadcasted_iota(jnp.int32, (K,), 0)

    t0 = wid * TPW
    pltpu.sync_copy(g16i.at[pl.ds(t0, TPW)], gidx_s)

    def token_body(i, _):
        t = t0 + i
        groups = gidx_s[i]
        row_ids = t * N_GRP + groups
        pltpu.async_copy(lrows.at[row_ids], rows_v, sem).wait()
        gbase = groups * G

        def outer(gslot, carry):
            run_v, run_i = carry
            base = _bcast_lane(gbase, gslot)

            def inner(cj, carry2):
                rv, ri = carry2
                ch = rows_v[gslot, pl.ds(cj * K, K)]
                ci = base + cj * K + lane
                return _merge(rv, ri, ch, ci)

            return lax.fori_loop(0, G // K, inner, (run_v, run_i))

        run_v = jnp.full((K,), NEG, jnp.float32)
        run_i = jnp.zeros((K,), jnp.int32)
        run_v, run_i = lax.fori_loop(0, K, outer, (run_v, run_i))

        tkl_s[i] = run_v
        tki_s[i] = run_i

        w = 1.0 / (1.0 + jnp.exp(-run_v))
        pltpu.async_copy(emb.at[run_i], erows_v, sem).wait()
        wbs = [_bcast_lane(w, r) for r in range(K)]

        def pool(d, _):
            acc = wbs[0] * erows_v[0, pl.ds(d * K, K)]
            for r in range(1, K):
                acc = acc + wbs[r] * erows_v[r, pl.ds(d * K, K)]
            feats_s[i, pl.ds(d * K, K)] = acc
            return 0

        lax.fori_loop(0, D // K, pool, 0)
        return 0

    lax.fori_loop(0, TPW, token_body, 0)

    pltpu.sync_copy(tkl_s, tkl.at[pl.ds(t0, TPW)])
    pltpu.sync_copy(tki_s, tki.at[pl.ds(t0, TPW)])
    pltpu.sync_copy(feats_s, feat.at[pl.ds(t0, TPW)])


def _sc_stage(lrows, g16i, emb):
    mesh = plsc.VectorSubcoreMesh(core_axis_name="c", subcore_axis_name="s")
    kfn = functools.partial(
        pl.kernel,
        mesh=mesh,
        compiler_params=pltpu.CompilerParams(needs_layout_passes=False),
        out_type=(
            jax.ShapeDtypeStruct((T, D), jnp.float32),
            jax.ShapeDtypeStruct((T, K), jnp.int32),
            jax.ShapeDtypeStruct((T, K), jnp.float32),
        ),
        scratch_types=[
            pltpu.VMEM((TPW, K), jnp.int32),
            pltpu.VMEM((K, G), jnp.float32),
            pltpu.VMEM((K, D), jnp.float32),
            pltpu.VMEM((TPW, D), jnp.float32),
            pltpu.VMEM((TPW, K), jnp.int32),
            pltpu.VMEM((TPW, K), jnp.float32),
            pltpu.SemaphoreType.DMA,
        ],
    )(_sc_kernel)
    return kfn(lrows, g16i, emb)



def kernel(hidden, W_pred, emb_table):
    hidden2d = hidden.reshape(T, D)
    logits, gmax3 = _logits_and_gmax(hidden2d, W_pred)
    _, g16i = _top_groups(gmax3)
    lrows = logits.reshape(T * N_GRP, G)
    feat, tki, tkl = _sc_stage(lrows, g16i.T, emb_table)
    return (feat.reshape(B, T, D),
            tki.reshape(B, T, K),
            tkl.reshape(B, T, K))

# --- scband reference (transcript-rebuilt; emitter-appended) ---
"""Pipeline reference for scband-concept-head-24318104830230 (READ-ONLY COPY).

The authoritative reference and input builder live on the scoring server;
editing this copy changes nothing except your own understanding.
"""

import jax, jax.numpy as jnp
import numpy as np

B, T, D = 1, 2048, 768
C = 100000  # n_concepts (== n_concepts_padded, multiple of 16)
K = 16      # topk


def setup_inputs(seed: int = 0) -> dict:
    key = jax.random.key(seed)
    k1, k2, k3 = jax.random.split(key, 3)
    hidden = jax.random.normal(k1, (B, T, D), dtype=jnp.float32)
    # concept_predictor: Linear(n_embd -> n_concepts_padded), weight [C, D]
    W_pred = jax.random.normal(k2, (C, D), dtype=jnp.float32) * 0.02
    # concept_embedding: Embedding(n_concepts_padded, concept_dim)
    emb_table = jax.random.normal(k3, (C, D), dtype=jnp.float32) * 0.02
    return {"hidden": hidden, "W_pred": W_pred, "emb_table": emb_table}


def reference(hidden, W_pred, emb_table):
    # Unknown head, linear predictor, streaming top-k on logits (topk_on_logits=True).
    # logits: (B, T, C) -- the large-C memory-bound tensor the torch code streams in blocks.
    logits = jnp.einsum('btd,cd->btc', hidden, W_pred)
    # top-k masking over concepts (apply_topk_to_unknown=True)
    topk_logits, topk_idx = jax.lax.top_k(logits, K)  # (B, T, K)
    # weights = sigmoid of the surviving logits (sigmoid is monotone, so
    # top-k on logits == top-k on weights for index selection)
    weights = jax.nn.sigmoid(topk_logits)  # (B, T, K)
    # gather only the top-k concept embeddings (avoids (B,T,C,D) allocation)
    gathered = jnp.take(emb_table, topk_idx, axis=0)  # (B, T, K, D)
    features = jnp.sum(weights[..., None] * gathered, axis=-2)  # (B, T, D)
    # unknown head: no GT pooling, no teacher forcing -> predicted == features
    return features, topk_idx, topk_logits

if __name__ == "__main__":
    import jax
    _d = setup_inputs()
    print(jax.jit(kernel)(*tuple(_d.values())))

</pallas_src>

<mosaic_0001>
#map = affine_map<(d0, d1) -> (0, 0)>
module attributes {stable_mosaic.version = 14 : i64} {
  func.func @_sc_kernel(%arg0: i32, %arg1: i32, %arg2: memref<1605632x128xf32, #tpu.memory_space<hbm>>, %arg3: memref<2048x16xi32, #tpu.memory_space<hbm>>, %arg4: memref<100000x768xf32, #tpu.memory_space<hbm>>, %arg5: memref<2048x768xf32, #tpu.memory_space<hbm>>, %arg6: memref<2048x16xi32, #tpu.memory_space<hbm>>, %arg7: memref<2048x16xf32, #tpu.memory_space<hbm>>, %arg8: memref<64x16xi32, #tpu.memory_space<vmem>>, %arg9: memref<16x128xf32, #tpu.memory_space<vmem>>, %arg10: memref<16x768xf32, #tpu.memory_space<vmem>>, %arg11: memref<64x768xf32, #tpu.memory_space<vmem>>, %arg12: memref<64x16xi32, #tpu.memory_space<vmem>>, %arg13: memref<64x16xf32, #tpu.memory_space<vmem>>, %arg14: memref<!tpu.dma_semaphore, #tpu.memory_space<semaphore_mem>>) attributes {dimension_semantics = [#tpu.dimension_semantics<core_parallel>, #tpu.dimension_semantics<subcore_parallel>], iteration_bounds = array<i64: 2, 16>, scalar_prefetch = 0 : i64, scratch_operands = 7 : i64, tpu.core_type = #tpu.core_type<sc_vector_subcore>, window_params = [{transform_indices = #map}, {transform_indices = #map}, {transform_indices = #map}, {transform_indices = #map}, {transform_indices = #map}, {transform_indices = #map}]} {
    %mul3A = arith.constant 2 : i32
    %mul3A_0 = arith.muli %arg1, %mul3A : i32
    %add3A = arith.addi %mul3A_0, %arg0 : i32
    %iota3A = tpu.iota {dimensions = array<i32: 0>} : vector<16xi32>
    %mul3A_1 = arith.constant 64 : i32
    %mul3A_2 = arith.muli %add3A, %mul3A_1 : i32
    "tpu.region"() ({
      %run_scoped3A = tpu.sem_alloc : memref<!tpu.dma_semaphore, #tpu.memory_space<semaphore_mem>>
      %dma_start3A = arith.constant 0 : i32
      %dma_start3A_9 = tpu.memref_slice %arg3[%mul3A_2, %dma_start3A] : memref<2048x16xi32, #tpu.memory_space<hbm>> -> memref<64x16xi32, #tpu.memory_space<hbm>>
      %dma_start3A_10 = arith.constant 0 : i32
      %dma_start3A_11 = tpu.memref_slice %arg3[%mul3A_2, %dma_start3A_10] : memref<2048x16xi32, #tpu.memory_space<hbm>> -> memref<64x16xi32, #tpu.memory_space<hbm>>
      tpu.enqueue_dma source(%dma_start3A_11 : memref<64x16xi32, #tpu.memory_space<hbm>>) target(%arg8 : memref<64x16xi32, #tpu.memory_space<vmem>>) target_semaphore(%run_scoped3A : memref<!tpu.dma_semaphore, #tpu.memory_space<semaphore_mem>>)
      %dma_wait3A = arith.constant 0 : i32
      %dma_wait3A_12 = tpu.memref_slice %arg3[%mul3A_2, %dma_wait3A] : memref<2048x16xi32, #tpu.memory_space<hbm>> -> memref<64x16xi32, #tpu.memory_space<hbm>>
      %dma_wait3A_13 = arith.constant 0 : i32
      %dma_wait3A_14 = tpu.memref_slice %arg3[%mul3A_2, %dma_wait3A_13] : memref<2048x16xi32, #tpu.memory_space<hbm>> -> memref<64x16xi32, #tpu.memory_space<hbm>>
      tpu.wait_dma2 semaphore(%run_scoped3A : memref<!tpu.dma_semaphore, #tpu.memory_space<semaphore_mem>>) src(%dma_wait3A_14 : memref<64x16xi32, #tpu.memory_space<hbm>>) dst(%arg8 : memref<64x16xi32, #tpu.memory_space<vmem>>)
      tpu.yield
    }) : () -> ()
    %scan3A = arith.constant 0 : i32
    %scan3A_3 = arith.constant 0 : i32
    %scan3A_4 = arith.constant 64 : i32
    %scan3A_5 = arith.addi %scan3A_3, %scan3A_4 : i32
    %scan3A_6 = arith.constant 1 : i32
    %scan3A_7 = scf.for %scan3A_9 = %scan3A_3 to %scan3A_5 step %scan3A_6 iter_args(%scan3A_10 = %scan3A) -> (i32)  : i32 {
      %add3A_11 = arith.addi %mul3A_2, %scan3A_9 : i32
      %get3A = arith.index_cast %scan3A_9 : i32 to index
      %get3A_12 = arith.constant 0 : index
      %get3A_13 = tpu.vector_load %arg8[%get3A, %get3A_12] {strides = array<i32>} : memref<64x16xi32, #tpu.memory_space<vmem>>, vector<16xi32>,
      %mul3A_14 = arith.constant 784 : i32
      %mul3A_15 = arith.muli %add3A_11, %mul3A_14 : i32
      %add3A_16 = vector.broadcast %mul3A_15 : i32 to vector<16xi32>
      %add3A_17 = arith.addi %add3A_16, %get3A_13 : vector<16xi32>
      %dma_start3A = arith.constant 0 : i32
      %dma_start3A_18 = arith.constant 0 : i32
      %dma_start3A_19 = tpu.memref_slice %arg2[%dma_start3A, %dma_start3A_18] : memref<1605632x128xf32, #tpu.memory_space<hbm>> -> memref<1605632x128xf32, #tpu.memory_space<hbm>>
      tpu.enqueue_indirect_dma source(%dma_start3A_19 : memref<1605632x128xf32, #tpu.memory_space<hbm>>) target(%arg9 : memref<16x128xf32, #tpu.memory_space<vmem>>) offsets(%add3A_17 : vector<16xi32>) semaphore(%arg14 : memref<!tpu.dma_semaphore, #tpu.memory_space<semaphore_mem>>)
      %dma_wait3A = arith.constant 0 : i32
      %dma_wait3A_20 = arith.constant 0 : i32
      %dma_wait3A_21 = tpu.memref_slice %arg2[%dma_wait3A, %dma_wait3A_20] : memref<1605632x128xf32, #tpu.memory_space<hbm>> -> memref<1605632x128xf32, #tpu.memory_space<hbm>>
      tpu.wait_indirect_dma semaphore(%arg14 : memref<!tpu.dma_semaphore, #tpu.memory_space<semaphore_mem>>) src(%dma_wait3A_21 : memref<1605632x128xf32, #tpu.memory_space<hbm>>) dst(%arg9 : memref<16x128xf32, #tpu.memory_space<vmem>>)
      %mul3A_22 = arith.constant 128 : i32
      %mul3A_23 = vector.broadcast %mul3A_22 : i32 to vector<16xi32>
      %mul3A_24 = arith.muli %get3A_13, %mul3A_23 : vector<16xi32>
      %broadcast_in_dim3A = arith.constant -3.000000e+38 : f32
      %broadcast_in_dim3A_25 = vector.broadcast %broadcast_in_dim3A : f32 to vector<16xf32>
      %broadcast_in_dim3A_26 = arith.constant 0 : i32
      %broadcast_in_dim3A_27 = vector.broadcast %broadcast_in_dim3A_26 : i32 to vector<16xi32>
      %scan3A_28 = arith.constant 0 : i32
      %scan3A_29 = arith.constant 16 : i32
      %scan3A_30 = arith.addi %scan3A_28, %scan3A_29 : i32
      %scan3A_31 = arith.constant 1 : i32
      %scan3A_32:2 = scf.for %scan3A_139 = %scan3A_28 to %scan3A_30 step %scan3A_31 iter_args(%scan3A_140 = %broadcast_in_dim3A_25, %scan3A_141 = %broadcast_in_dim3A_27) -> (vector<16xf32>, vector<16xi32>)  : i32 {
        %broadcast_in_dim3A_142 = vector.broadcast %scan3A_139 : i32 to vector<16xi32>
        %broadcast_in_dim3A_143 = vector.shape_cast %broadcast_in_dim3A_142 : vector<16xi32> to vector<16x1xi32>
        %gather3A_144 = vector.shape_cast %broadcast_in_dim3A_143 : vector<16x1xi32> to vector<16xi32>
        %gather3A_145 = tpu.dynamic_gather %mul3A_24[%gather3A_144] in [0] : vector<16xi32>, vector<16xi32> -> vector<16xi32>
        %scan3A_146 = arith.constant 0 : i32
        %scan3A_147 = arith.constant 8 : i32
        %scan3A_148 = arith.addi %scan3A_146, %scan3A_147 : i32
        %scan3A_149 = arith.constant 1 : i32
        %scan3A_150:2 = scf.for %scan3A_152 = %scan3A_146 to %scan3A_148 step %scan3A_149 iter_args(%scan3A_153 = %scan3A_140, %scan3A_154 = %scan3A_141) -> (vector<16xf32>, vector<16xi32>)  : i32 {
          %mul3A_155 = arith.constant 16 : i32
          %mul3A_156 = arith.muli %scan3A_152, %mul3A_155 : i32
          %get3A_157 = arith.index_cast %scan3A_139 : i32 to index
          %get3A_158 = arith.index_cast %mul3A_156 : i32 to index
          %get3A_159 = tpu.vector_load %arg9[%get3A_157, %get3A_158] {strides = array<i32>} : memref<16x128xf32, #tpu.memory_space<vmem>>, vector<16xf32>,
          %mul3A_160 = arith.constant 16 : i32
          %mul3A_161 = arith.muli %scan3A_152, %mul3A_160 : i32
          %add3A_162 = vector.broadcast %mul3A_161 : i32 to vector<16xi32>
          %add3A_163 = arith.addi %gather3A_145, %add3A_162 : vector<16xi32>
          %add3A_164 = arith.addi %add3A_163, %iota3A : vector<16xi32>
          %masked_sort3A = arith.constant dense<true> : vector<16xi1>
          %masked_sort3A_165, %masked_sort3A_166, %masked_sort3A_167 = tpu.sort %get3A_159, %add3A_164 masked %masked_sort3A : (vector<16xf32>, vector<16xi32>, vector<16xi1>) -> (vector<16xi1>, vector<16xf32>, vector<16xi32>)
          %gt3A = arith.cmpf ogt, %scan3A_153, %masked_sort3A_166 : vector<16xf32>
          %eq3A = arith.cmpf oeq, %scan3A_153, %masked_sort3A_166 : vector<16xf32>
          %lt3A = arith.cmpi slt, %scan3A_154, %masked_sort3A_167 : vector<16xi32>
          %and3A = arith.andi %eq3A, %lt3A : vector<16xi1>
          %or3A = arith.ori %gt3A, %and3A : vector<16xi1>
          %select_n3A = arith.select %or3A, %scan3A_153, %masked_sort3A_166 : vector<16xi1>, vector<16xf32>
          %select_n3A_168 = arith.select %or3A, %scan3A_154, %masked_sort3A_167 : vector<16xi1>, vector<16xi32>
          %masked_sort3A_169 = arith.constant dense<true> : vector<16xi1>
          %masked_sort3A_170, %masked_sort3A_171, %masked_sort3A_172 = tpu.sort %select_n3A, %select_n3A_168 masked %masked_sort3A_169 {descending = true} : (vector<16xf32>, vector<16xi32>, vector<16xi1>) -> (vector<16xi1>, vector<16xf32>, vector<16xi32>)
          scf.yield %masked_sort3A_171, %masked_sort3A_172 : vector<16xf32>, vector<16xi32>
        }
        %scan3A_151 = arith.constant 8 : i32
        scf.yield %scan3A_150#0, %scan3A_150#1 : vector<16xf32>, vector<16xi32>
      }
      %scan3A_33 = arith.constant 16 : i32
      %swap3A = arith.index_cast %scan3A_9 : i32 to index
      %swap3A_34 = arith.constant 0 : index
      %swap3A_35 = tpu.vector_load %arg13[%swap3A, %swap3A_34] {strides = array<i32>} : memref<64x16xf32, #tpu.memory_space<vmem>>, vector<16xf32>,
      tpu.vector_store %arg13[%swap3A, %swap3A_34], %scan3A_32#0 {strides = array<i32>} : memref<64x16xf32, #tpu.memory_space<vmem>>, vector<16xf32>,
      %swap3A_36 = arith.index_cast %scan3A_9 : i32 to index
      %swap3A_37 = arith.constant 0 : index
      %swap3A_38 = tpu.vector_load %arg12[%swap3A_36, %swap3A_37] {strides = array<i32>} : memref<64x16xi32, #tpu.memory_space<vmem>>, vector<16xi32>,
      tpu.vector_store %arg12[%swap3A_36, %swap3A_37], %scan3A_32#1 {strides = array<i32>} : memref<64x16xi32, #tpu.memory_space<vmem>>, vector<16xi32>,
      %neg3A = arith.constant 0.000000e+00 : f32
      %neg3A_39 = vector.broadcast %neg3A : f32 to vector<16xf32>
      %neg3A_40 = arith.subf %neg3A_39, %scan3A_32#0 : vector<16xf32>
      %exp3A = math.exp %neg3A_40 : vector<16xf32>
      %add3A_41 = arith.constant 1.000000e+00 : f32
      %add3A_42 = vector.broadcast %add3A_41 : f32 to vector<16xf32>
      %add3A_43 = arith.addf %add3A_42, %exp3A : vector<16xf32>
      %div3A = arith.constant 1.000000e+00 : f32
      %div3A_44 = vector.broadcast %div3A : f32 to vector<16xf32>
      %div3A_45 = arith.divf %div3A_44, %add3A_43 : vector<16xf32>
      %dma_start3A_46 = arith.constant 0 : i32
      %dma_start3A_47 = arith.constant 0 : i32
      %dma_start3A_48 = tpu.memref_slice %arg4[%dma_start3A_46, %dma_start3A_47] : memref<100000x768xf32, #tpu.memory_space<hbm>> -> memref<100000x768xf32, #tpu.memory_space<hbm>>
      tpu.enqueue_indirect_dma source(%dma_start3A_48 : memref<100000x768xf32, #tpu.memory_space<hbm>>) target(%arg10 : memref<16x768xf32, #tpu.memory_space<vmem>>) offsets(%scan3A_32#1 : vector<16xi32>) semaphore(%arg14 : memref<!tpu.dma_semaphore, #tpu.memory_space<semaphore_mem>>)
      %dma_wait3A_49 = arith.constant 0 : i32
      %dma_wait3A_50 = arith.constant 0 : i32
      %dma_wait3A_51 = tpu.memref_slice %arg4[%dma_wait3A_49, %dma_wait3A_50] : memref<100000x768xf32, #tpu.memory_space<hbm>> -> memref<100000x768xf32, #tpu.memory_space<hbm>>
      tpu.wait_indirect_dma semaphore(%arg14 : memref<!tpu.dma_semaphore, #tpu.memory_space<semaphore_mem>>) src(%dma_wait3A_51 : memref<100000x768xf32, #tpu.memory_space<hbm>>) dst(%arg10 : memref<16x768xf32, #tpu.memory_space<vmem>>)
      %broadcast_in_dim3A_52 = arith.constant 0 : i32
      %broadcast_in_dim3A_53 = vector.broadcast %broadcast_in_dim3A_52 : i32 to vector<16xi32>
      %broadcast_in_dim3A_54 = vector.shape_cast %broadcast_in_dim3A_53 : vector<16xi32> to vector<16x1xi32>
      %gather3A = vector.shape_cast %broadcast_in_dim3A_54 : vector<16x1xi32> to vector<16xi32>
      %gather3A_55 = tpu.dynamic_gather %div3A_45[%gather3A] in [0] : vector<16xf32>, vector<16xi32> -> vector<16xf32>
      %broadcast_in_dim3A_56 = arith.constant 1 : i32
      %broadcast_in_dim3A_57 = vector.broadcast %broadcast_in_dim3A_56 : i32 to vector<16xi32>
      %broadcast_in_dim3A_58 = vector.shape_cast %broadcast_in_dim3A_57 : vector<16xi32> to vector<16x1xi32>
      %gather3A_59 = vector.shape_cast %broadcast_in_dim3A_58 : vector<16x1xi32> to vector<16xi32>
      %gather3A_60 = tpu.dynamic_gather %div3A_45[%gather3A_59] in [0] : vector<16xf32>, vector<16xi32> -> vector<16xf32>
      %broadcast_in_dim3A_61 = arith.constant 2 : i32
      %broadcast_in_dim3A_62 = vector.broadcast %broadcast_in_dim3A_61 : i32 to vector<16xi32>
      %broadcast_in_dim3A_63 = vector.shape_cast %broadcast_in_dim3A_62 : vector<16xi32> to vector<16x1xi32>
      %gather3A_64 = vector.shape_cast %broadcast_in_dim3A_63 : vector<16x1xi32> to vector<16xi32>
      %gather3A_65 = tpu.dynamic_gather %div3A_45[%gather3A_64] in [0] : vector<16xf32>, vector<16xi32> -> vector<16xf32>
      %broadcast_in_dim3A_66 = arith.constant 3 : i32
      %broadcast_in_dim3A_67 = vector.broadcast %broadcast_in_dim3A_66 : i32 to vector<16xi32>
      %broadcast_in_dim3A_68 = vector.shape_cast %broadcast_in_dim3A_67 : vector<16xi32> to vector<16x1xi32>
      %gather3A_69 = vector.shape_cast %broadcast_in_dim3A_68 : vector<16x1xi32> to vector<16xi32>
      %gather3A_70 = tpu.dynamic_gather %div3A_45[%gather3A_69] in [0] : vector<16xf32>, vector<16xi32> -> vector<16xf32>
      %broadcast_in_dim3A_71 = arith.constant 4 : i32
      %broadcast_in_dim3A_72 = vector.broadcast %broadcast_in_dim3A_71 : i32 to vector<16xi32>
      %broadcast_in_dim3A_73 = vector.shape_cast %broadcast_in_dim3A_72 : vector<16xi32> to vector<16x1xi32>
      %gather3A_74 = vector.shape_cast %broadcast_in_dim3A_73 : vector<16x1xi32> to vector<16xi32>
      %gather3A_75 = tpu.dynamic_gather %div3A_45[%gather3A_74] in [0] : vector<16xf32>, vector<16xi32> -> vector<16xf32>
      %broadcast_in_dim3A_76 = arith.constant 5 : i32
      %broadcast_in_dim3A_77 = vector.broadcast %broadcast_in_dim3A_76 : i32 to vector<16xi32>
      %broadcast_in_dim3A_78 = vector.shape_cast %broadcast_in_dim3A_77 : vector<16xi32> to vector<16x1xi32>
      %gather3A_79 = vector.shape_cast %broadcast_in_dim3A_78 : vector<16x1xi32> to vector<16xi32>
      %gather3A_80 = tpu.dynamic_gather %div3A_45[%gather3A_79] in [0] : vector<16xf32>, vector<16xi32> -> vector<16xf32>
      %broadcast_in_dim3A_81 = arith.constant 6 : i32
      %broadcast_in_dim3A_82 = vector.broadcast %broadcast_in_dim3A_81 : i32 to vector<16xi32>
      %broadcast_in_dim3A_83 = vector.shape_cast %broadcast_in_dim3A_82 : vector<16xi32> to vector<16x1xi32>
      %gather3A_84 = vector.shape_cast %broadcast_in_dim3A_83 : vector<16x1xi32> to vector<16xi32>
      %gather3A_85 = tpu.dynamic_gather %div3A_45[%gather3A_84] in [0] : vector<16xf32>, vector<16xi32> -> vector<16xf32>
      %broadcast_in_dim3A_86 = arith.constant 7 : i32
      %broadcast_in_dim3A_87 = vector.broadcast %broadcast_in_dim3A_86 : i32 to vector<16xi32>
      %broadcast_in_dim3A_88 = vector.shape_cast %broadcast_in_dim3A_87 : vector<16xi32> to vector<16x1xi32>
      %gather3A_89 = vector.shape_cast %broadcast_in_dim3A_88 : vector<16x1xi32> to vector<16xi32>
      %gather3A_90 = tpu.dynamic_gather %div3A_45[%gather3A_89] in [0] : vector<16xf32>, vector<16xi32> -> vector<16xf32>
      %broadcast_in_dim3A_91 = arith.constant 8 : i32
      %broadcast_in_dim3A_92 = vector.broadcast %broadcast_in_dim3A_91 : i32 to vector<16xi32>
      %broadcast_in_dim3A_93 = vector.shape_cast %broadcast_in_dim3A_92 : vector<16xi32> to vector<16x1xi32>
      %gather3A_94 = vector.shape_cast %broadcast_in_dim3A_93 : vector<16x1xi32> to vector<16xi32>
      %gather3A_95 = tpu.dynamic_gather %div3A_45[%gather3A_94] in [0] : vector<16xf32>, vector<16xi32> -> vector<16xf32>
      %broadcast_in_dim3A_96 = arith.constant 9 : i32
      %broadcast_in_dim3A_97 = vector.broadcast %broadcast_in_dim3A_96 : i32 to vector<16xi32>
      %broadcast_in_dim3A_98 = vector.shape_cast %broadcast_in_dim3A_97 : vector<16xi32> to vector<16x1xi32>
      %gather3A_99 = vector.shape_cast %broadcast_in_dim3A_98 : vector<16x1xi32> to vector<16xi32>
      %gather3A_100 = tpu.dynamic_gather %div3A_45[%gather3A_99] in [0] : vector<16xf32>, vector<16xi32> -> vector<16xf32>
      %broadcast_in_dim3A_101 = arith.constant 10 : i32
      %broadcast_in_dim3A_102 = vector.broadcast %broadcast_in_dim3A_101 : i32 to vector<16xi32>
      %broadcast_in_dim3A_103 = vector.shape_cast %broadcast_in_dim3A_102 : vector<16xi32> to vector<16x1xi32>
      %gather3A_104 = vector.shape_cast %broadcast_in_dim3A_103 : vector<16x1xi32> to vector<16xi32>
      %gather3A_105 = tpu.dynamic_gather %div3A_45[%gather3A_104] in [0] : vector<16xf32>, vector<16xi32> -> vector<16xf32>
      %broadcast_in_dim3A_106 = arith.constant 11 : i32
      %broadcast_in_dim3A_107 = vector.broadcast %broadcast_in_dim3A_106 : i32 to vector<16xi32>
      %broadcast_in_dim3A_108 = vector.shape_cast %broadcast_in_dim3A_107 : vector<16xi32> to vector<16x1xi32>
      %gather3A_109 = vector.shape_cast %broadcast_in_dim3A_108 : vector<16x1xi32> to vector<16xi32>
      %gather3A_110 = tpu.dynamic_gather %div3A_45[%gather3A_109] in [0] : vector<16xf32>, vector<16xi32> -> vector<16xf32>
      %broadcast_in_dim3A_111 = arith.constant 12 : i32
      %broadcast_in_dim3A_112 = vector.broadcast %broadcast_in_dim3A_111 : i32 to vector<16xi32>
      %broadcast_in_dim3A_113 = vector.shape_cast %broadcast_in_dim3A_112 : vector<16xi32> to vector<16x1xi32>
      %gather3A_114 = vector.shape_cast %broadcast_in_dim3A_113 : vector<16x1xi32> to vector<16xi32>
      %gather3A_115 = tpu.dynamic_gather %div3A_45[%gather3A_114] in [0] : vector<16xf32>, vector<16xi32> -> vector<16xf32>
      %broadcast_in_dim3A_116 = arith.constant 13 : i32
      %broadcast_in_dim3A_117 = vector.broadcast %broadcast_in_dim3A_116 : i32 to vector<16xi32>
      %broadcast_in_dim3A_118 = vector.shape_cast %broadcast_in_dim3A_117 : vector<16xi32> to vector<16x1xi32>
      %gather3A_119 = vector.shape_cast %broadcast_in_dim3A_118 : vector<16x1xi32> to vector<16xi32>
      %gather3A_120 = tpu.dynamic_gather %div3A_45[%gather3A_119] in [0] : vector<16xf32>, vector<16xi32> -> vector<16xf32>
      %broadcast_in_dim3A_121 = arith.constant 14 : i32
      %broadcast_in_dim3A_122 = vector.broadcast %broadcast_in_dim3A_121 : i32 to vector<16xi32>
      %broadcast_in_dim3A_123 = vector.shape_cast %broadcast_in_dim3A_122 : vector<16xi32> to vector<16x1xi32>
      %gather3A_124 = vector.shape_cast %broadcast_in_dim3A_123 : vector<16x1xi32> to vector<16xi32>
      %gather3A_125 = tpu.dynamic_gather %div3A_45[%gather3A_124] in [0] : vector<16xf32>, vector<16xi32> -> vector<16xf32>
      %broadcast_in_dim3A_126 = arith.constant 15 : i32
      %broadcast_in_dim3A_127 = vector.broadcast %broadcast_in_dim3A_126 : i32 to vector<16xi32>
      %broadcast_in_dim3A_128 = vector.shape_cast %broadcast_in_dim3A_127 : vector<16xi32> to vector<16x1xi32>
      %gather3A_129 = vector.shape_cast %broadcast_in_dim3A_128 : vector<16x1xi32> to vector<16xi32>
      %gather3A_130 = tpu.dynamic_gather %div3A_45[%gather3A_129] in [0] : vector<16xf32>, vector<16xi32> -> vector<16xf32>
      %scan3A_131 = arith.constant 0 : i32
      %scan3A_132 = arith.constant 0 : i32
      %scan3A_133 = arith.constant 48 : i32
      %scan3A_134 = arith.addi %scan3A_132, %scan3A_133 : i32
      %scan3A_135 = arith.constant 1 : i32
      %scan3A_136 = scf.for %scan3A_139 = %scan3A_132 to %scan3A_134 step %scan3A_135 iter_args(%scan3A_140 = %scan3A_131) -> (i32)  : i32 {
        %mul3A_141 = arith.constant 16 : i32
        %mul3A_142 = arith.muli %scan3A_139, %mul3A_141 : i32
        %get3A_143 = arith.constant 0 : i32
        %get3A_144 = arith.index_cast %get3A_143 : i32 to index
        %get3A_145 = arith.index_cast %mul3A_142 : i32 to index
        %get3A_146 = tpu.vector_load %arg10[%get3A_144, %get3A_145] {strides = array<i32>} : memref<16x768xf32, #tpu.memory_space<vmem>>, vector<16xf32>,
        %mul3A_147 = arith.mulf %gather3A_55, %get3A_146 : vector<16xf32>
        %mul3A_148 = arith.constant 16 : i32
        %mul3A_149 = arith.muli %scan3A_139, %mul3A_148 : i32
        %get3A_150 = arith.constant 1 : i32
        %get3A_151 = arith.index_cast %get3A_150 : i32 to index
        %get3A_152 = arith.index_cast %mul3A_149 : i32 to index
        %get3A_153 = tpu.vector_load %arg10[%get3A_151, %get3A_152] {strides = array<i32>} : memref<16x768xf32, #tpu.memory_space<vmem>>, vector<16xf32>,
        %mul3A_154 = arith.mulf %gather3A_60, %get3A_153 : vector<16xf32>
        %add3A_155 = arith.addf %mul3A_147, %mul3A_154 : vector<16xf32>
        %mul3A_156 = arith.constant 16 : i32
        %mul3A_157 = arith.muli %scan3A_139, %mul3A_156 : i32
        %get3A_158 = arith.constant 2 : i32
        %get3A_159 = arith.index_cast %get3A_158 : i32 to index
        %get3A_160 = arith.index_cast %mul3A_157 : i32 to index
        %get3A_161 = tpu.vector_load %arg10[%get3A_159, %get3A_160] {strides = array<i32>} : memref<16x768xf32, #tpu.memory_space<vmem>>, vector<16xf32>,
        %mul3A_162 = arith.mulf %gather3A_65, %get3A_161 : vector<16xf32>
        %add3A_163 = arith.addf %add3A_155, %mul3A_162 : vector<16xf32>
        %mul3A_164 = arith.constant 16 : i32
        %mul3A_165 = arith.muli %scan3A_139, %mul3A_164 : i32
        %get3A_166 = arith.constant 3 : i32
        %get3A_167 = arith.index_cast %get3A_166 : i32 to index
        %get3A_168 = arith.index_cast %mul3A_165 : i32 to index
        %get3A_169 = tpu.vector_load %arg10[%get3A_167, %get3A_168] {strides = array<i32>} : memref<16x768xf32, #tpu.memory_space<vmem>>, vector<16xf32>,
        %mul3A_170 = arith.mulf %gather3A_70, %get3A_169 : vector<16xf32>
        %add3A_171 = arith.addf %add3A_163, %mul3A_170 : vector<16xf32>
        %mul3A_172 = arith.constant 16 : i32
        %mul3A_173 = arith.muli %scan3A_139, %mul3A_172 : i32
        %get3A_174 = arith.constant 4 : i32
        %get3A_175 = arith.index_cast %get3A_174 : i32 to index
        %get3A_176 = arith.index_cast %mul3A_173 : i32 to index
        %get3A_177 = tpu.vector_load %arg10[%get3A_175, %get3A_176] {strides = array<i32>} : memref<16x768xf32, #tpu.memory_space<vmem>>, vector<16xf32>,
        %mul3A_178 = arith.mulf %gather3A_75, %get3A_177 : vector<16xf32>
        %add3A_179 = arith.addf %add3A_171, %mul3A_178 : vector<16xf32>
        %mul3A_180 = arith.constant 16 : i32
        %mul3A_181 = arith.muli %scan3A_139, %mul3A_180 : i32
        %get3A_182 = arith.constant 5 : i32
        %get3A_183 = arith.index_cast %get3A_182 : i32 to index
        %get3A_184 = arith.index_cast %mul3A_181 : i32 to index
        %get3A_185 = tpu.vector_load %arg10[%get3A_183, %get3A_184] {strides = array<i32>} : memref<16x768xf32, #tpu.memory_space<vmem>>, vector<16xf32>,
        %mul3A_186 = arith.mulf %gather3A_80, %get3A_185 : vector<16xf32>
        %add3A_187 = arith.addf %add3A_179, %mul3A_186 : vector<16xf32>
        %mul3A_188 = arith.constant 16 : i32
        %mul3A_189 = arith.muli %scan3A_139, %mul3A_188 : i32
        %get3A_190 = arith.constant 6 : i32
        %get3A_191 = arith.index_cast %get3A_190 : i32 to index
        %get3A_192 = arith.index_cast %mul3A_189 : i32 to index
        %get3A_193 = tpu.vector_load %arg10[%get3A_191, %get3A_192] {strides = array<i32>} : memref<16x768xf32, #tpu.memory_space<vmem>>, vector<16xf32>,
        %mul3A_194 = arith.mulf %gather3A_85, %get3A_193 : vector<16xf32>
        %add3A_195 = arith.addf %add3A_187, %mul3A_194 : vector<16xf32>
        %mul3A_196 = arith.constant 16 : i32
        %mul3A_197 = arith.muli %scan3A_139, %mul3A_196 : i32
        %get3A_198 = arith.constant 7 : i32
        %get3A_199 = arith.index_cast %get3A_198 : i32 to index
        %get3A_200 = arith.index_cast %mul3A_197 : i32 to index
        %get3A_201 = tpu.vector_load %arg10[%get3A_199, %get3A_200] {strides = array<i32>} : memref<16x768xf32, #tpu.memory_space<vmem>>, vector<16xf32>,
        %mul3A_202 = arith.mulf %gather3A_90, %get3A_201 : vector<16xf32>
        %add3A_203 = arith.addf %add3A_195, %mul3A_202 : vector<16xf32>
        %mul3A_204 = arith.constant 16 : i32
        %mul3A_205 = arith.muli %scan3A_139, %mul3A_204 : i32
        %get3A_206 = arith.constant 8 : i32
        %get3A_207 = arith.index_cast %get3A_206 : i32 to index
        %get3A_208 = arith.index_cast %mul3A_205 : i32 to index
        %get3A_209 = tpu.vector_load %arg10[%get3A_207, %get3A_208] {strides = array<i32>} : memref<16x768xf32, #tpu.memory_space<vmem>>, vector<16xf32>,
        %mul3A_210 = arith.mulf %gather3A_95, %get3A_209 : vector<16xf32>
        %add3A_211 = arith.addf %add3A_203, %mul3A_210 : vector<16xf32>
        %mul3A_212 = arith.constant 16 : i32
        %mul3A_213 = arith.muli %scan3A_139, %mul3A_212 : i32
        %get3A_214 = arith.constant 9 : i32
        %get3A_215 = arith.index_cast %get3A_214 : i32 to index
        %get3A_216 = arith.index_cast %mul3A_213 : i32 to index
        %get3A_217 = tpu.vector_load %arg10[%get3A_215, %get3A_216] {strides = array<i32>} : memref<16x768xf32, #tpu.memory_space<vmem>>, vector<16xf32>,
        %mul3A_218 = arith.mulf %gather3A_100, %get3A_217 : vector<16xf32>
        %add3A_219 = arith.addf %add3A_211, %mul3A_218 : vector<16xf32>
        %mul3A_220 = arith.constant 16 : i32
        %mul3A_221 = arith.muli %scan3A_139, %mul3A_220 : i32
        %get3A_222 = arith.constant 10 : i32
        %get3A_223 = arith.index_cast %get3A_222 : i32 to index
        %get3A_224 = arith.index_cast %mul3A_221 : i32 to index
        %get3A_225 = tpu.vector_load %arg10[%get3A_223, %get3A_224] {strides = array<i32>} : memref<16x768xf32, #tpu.memory_space<vmem>>, vector<16xf32>,
        %mul3A_226 = arith.mulf %gather3A_105, %get3A_225 : vector<16xf32>
        %add3A_227 = arith.addf %add3A_219, %mul3A_226 : vector<16xf32>
        %mul3A_228 = arith.constant 16 : i32
        %mul3A_229 = arith.muli %scan3A_139, %mul3A_228 : i32
        %get3A_230 = arith.constant 11 : i32
        %get3A_231 = arith.index_cast %get3A_230 : i32 to index
        %get3A_232 = arith.index_cast %mul3A_229 : i32 to index
        %get3A_233 = tpu.vector_load %arg10[%get3A_231, %get3A_232] {strides = array<i32>} : memref<16x768xf32, #tpu.memory_space<vmem>>, vector<16xf32>,
        %mul3A_234 = arith.mulf %gather3A_110, %get3A_233 : vector<16xf32>
        %add3A_235 = arith.addf %add3A_227, %mul3A_234 : vector<16xf32>
        %mul3A_236 = arith.constant 16 : i32
        %mul3A_237 = arith.muli %scan3A_139, %mul3A_236 : i32
        %get3A_238 = arith.constant 12 : i32
        %get3A_239 = arith.index_cast %get3A_238 : i32 to index
        %get3A_240 = arith.index_cast %mul3A_237 : i32 to index
        %get3A_241 = tpu.vector_load %arg10[%get3A_239, %get3A_240] {strides = array<i32>} : memref<16x768xf32, #tpu.memory_space<vmem>>, vector<16xf32>,
        %mul3A_242 = arith.mulf %gather3A_115, %get3A_241 : vector<16xf32>
        %add3A_243 = arith.addf %add3A_235, %mul3A_242 : vector<16xf32>
        %mul3A_244 = arith.constant 16 : i32
        %mul3A_245 = arith.muli %scan3A_139, %mul3A_244 : i32
        %get3A_246 = arith.constant 13 : i32
        %get3A_247 = arith.index_cast %get3A_246 : i32 to index
        %get3A_248 = arith.index_cast %mul3A_245 : i32 to index
        %get3A_249 = tpu.vector_load %arg10[%get3A_247, %get3A_248] {strides = array<i32>} : memref<16x768xf32, #tpu.memory_space<vmem>>, vector<16xf32>,
        %mul3A_250 = arith.mulf %gather3A_120, %get3A_249 : vector<16xf32>
        %add3A_251 = arith.addf %add3A_243, %mul3A_250 : vector<16xf32>
        %mul3A_252 = arith.constant 16 : i32
        %mul3A_253 = arith.muli %scan3A_139, %mul3A_252 : i32
        %get3A_254 = arith.constant 14 : i32
        %get3A_255 = arith.index_cast %get3A_254 : i32 to index
        %get3A_256 = arith.index_cast %mul3A_253 : i32 to index
        %get3A_257 = tpu.vector_load %arg10[%get3A_255, %get3A_256] {strides = array<i32>} : memref<16x768xf32, #tpu.memory_space<vmem>>, vector<16xf32>,
        %mul3A_258 = arith.mulf %gather3A_125, %get3A_257 : vector<16xf32>
        %add3A_259 = arith.addf %add3A_251, %mul3A_258 : vector<16xf32>
        %mul3A_260 = arith.constant 16 : i32
        %mul3A_261 = arith.muli %scan3A_139, %mul3A_260 : i32
        %get3A_262 = arith.constant 15 : i32
        %get3A_263 = arith.index_cast %get3A_262 : i32 to index
        %get3A_264 = arith.index_cast %mul3A_261 : i32 to index
        %get3A_265 = tpu.vector_load %arg10[%get3A_263, %get3A_264] {strides = array<i32>} : memref<16x768xf32, #tpu.memory_space<vmem>>, vector<16xf32>,
        %mul3A_266 = arith.mulf %gather3A_130, %get3A_265 : vector<16xf32>
        %add3A_267 = arith.addf %add3A_259, %mul3A_266 : vector<16xf32>
        %mul3A_268 = arith.constant 16 : i32
        %mul3A_269 = arith.muli %scan3A_139, %mul3A_268 : i32
        %swap3A_270 = arith.index_cast %scan3A_9 : i32 to index
        %swap3A_271 = arith.index_cast %mul3A_269 : i32 to index
        %swap3A_272 = tpu.vector_load %arg11[%swap3A_270, %swap3A_271] {strides = array<i32>} : memref<64x768xf32, #tpu.memory_space<vmem>>, vector<16xf32>,
        tpu.vector_store %arg11[%swap3A_270, %swap3A_271], %add3A_267 {strides = array<i32>} : memref<64x768xf32, #tpu.memory_space<vmem>>, vector<16xf32>,
        %scan3A_273 = arith.constant 0 : i32
        scf.yield %scan3A_273 : i32
      }
      %scan3A_137 = arith.constant 48 : i32
      %scan3A_138 = arith.constant 0 : i32
      scf.yield %scan3A_138 : i32
    }
    %scan3A_8 = arith.constant 64 : i32
    "tpu.region"() ({
      %run_scoped3A = tpu.sem_alloc : memref<!tpu.dma_semaphore, #tpu.memory_space<semaphore_mem>>
      %dma_start3A = arith.constant 0 : i32
      %dma_start3A_9 = tpu.memref_slice %arg7[%mul3A_2, %dma_start3A] : memref<2048x16xf32, #tpu.memory_space<hbm>> -> memref<64x16xf32, #tpu.memory_space<hbm>>
      %dma_start3A_10 = arith.constant 0 : i32
      %dma_start3A_11 = tpu.memref_slice %arg7[%mul3A_2, %dma_start3A_10] : memref<2048x16xf32, #tpu.memory_space<hbm>> -> memref<64x16xf32, #tpu.memory_space<hbm>>
      tpu.enqueue_dma source(%arg13 : memref<64x16xf32, #tpu.memory_space<vmem>>) target(%dma_start3A_11 : memref<64x16xf32, #tpu.memory_space<hbm>>) target_semaphore(%run_scoped3A : memref<!tpu.dma_semaphore, #tpu.memory_space<semaphore_mem>>)
      %dma_wait3A = arith.constant 0 : i32
      %dma_wait3A_12 = tpu.memref_slice %arg7[%mul3A_2, %dma_wait3A] : memref<2048x16xf32, #tpu.memory_space<hbm>> -> memref<64x16xf32, #tpu.memory_space<hbm>>
      %dma_wait3A_13 = arith.constant 0 : i32
      %dma_wait3A_14 = tpu.memref_slice %arg7[%mul3A_2, %dma_wait3A_13] : memref<2048x16xf32, #tpu.memory_space<hbm>> -> memref<64x16xf32, #tpu.memory_space<hbm>>
      tpu.wait_dma2 semaphore(%run_scoped3A : memref<!tpu.dma_semaphore, #tpu.memory_space<semaphore_mem>>) src(%arg13 : memref<64x16xf32, #tpu.memory_space<vmem>>) dst(%dma_wait3A_14 : memref<64x16xf32, #tpu.memory_space<hbm>>)
      tpu.yield
    }) : () -> ()
    "tpu.region"() ({
      %run_scoped3A = tpu.sem_alloc : memref<!tpu.dma_semaphore, #tpu.memory_space<semaphore_mem>>
      %dma_start3A = arith.constant 0 : i32
      %dma_start3A_9 = tpu.memref_slice %arg6[%mul3A_2, %dma_start3A] : memref<2048x16xi32, #tpu.memory_space<hbm>> -> memref<64x16xi32, #tpu.memory_space<hbm>>
      %dma_start3A_10 = arith.constant 0 : i32
      %dma_start3A_11 = tpu.memref_slice %arg6[%mul3A_2, %dma_start3A_10] : memref<2048x16xi32, #tpu.memory_space<hbm>> -> memref<64x16xi32, #tpu.memory_space<hbm>>
      tpu.enqueue_dma source(%arg12 : memref<64x16xi32, #tpu.memory_space<vmem>>) target(%dma_start3A_11 : memref<64x16xi32, #tpu.memory_space<hbm>>) target_semaphore(%run_scoped3A : memref<!tpu.dma_semaphore, #tpu.memory_space<semaphore_mem>>)
      %dma_wait3A = arith.constant 0 : i32
      %dma_wait3A_12 = tpu.memref_slice %arg6[%mul3A_2, %dma_wait3A] : memref<2048x16xi32, #tpu.memory_space<hbm>> -> memref<64x16xi32, #tpu.memory_space<hbm>>
      %dma_wait3A_13 = arith.constant 0 : i32
      %dma_wait3A_14 = tpu.memref_slice %arg6[%mul3A_2, %dma_wait3A_13] : memref<2048x16xi32, #tpu.memory_space<hbm>> -> memref<64x16xi32, #tpu.memory_space<hbm>>
      tpu.wait_dma2 semaphore(%run_scoped3A : memref<!tpu.dma_semaphore, #tpu.memory_space<semaphore_mem>>) src(%arg12 : memref<64x16xi32, #tpu.memory_space<vmem>>) dst(%dma_wait3A_14 : memref<64x16xi32, #tpu.memory_space<hbm>>)
      tpu.yield
    }) : () -> ()
    "tpu.region"() ({
      %run_scoped3A = tpu.sem_alloc : memref<!tpu.dma_semaphore, #tpu.memory_space<semaphore_mem>>
      %dma_start3A = arith.constant 0 : i32
      %dma_start3A_9 = tpu.memref_slice %arg5[%mul3A_2, %dma_start3A] : memref<2048x768xf32, #tpu.memory_space<hbm>> -> memref<64x768xf32, #tpu.memory_space<hbm>>
      %dma_start3A_10 = arith.constant 0 : i32
      %dma_start3A_11 = tpu.memref_slice %arg5[%mul3A_2, %dma_start3A_10] : memref<2048x768xf32, #tpu.memory_space<hbm>> -> memref<64x768xf32, #tpu.memory_space<hbm>>
      tpu.enqueue_dma source(%arg11 : memref<64x768xf32, #tpu.memory_space<vmem>>) target(%dma_start3A_11 : memref<64x768xf32, #tpu.memory_space<hbm>>) target_semaphore(%run_scoped3A : memref<!tpu.dma_semaphore, #tpu.memory_space<semaphore_mem>>)
      %dma_wait3A = arith.constant 0 : i32
      %dma_wait3A_12 = tpu.memref_slice %arg5[%mul3A_2, %dma_wait3A] : memref<2048x768xf32, #tpu.memory_space<hbm>> -> memref<64x768xf32, #tpu.memory_space<hbm>>
      %dma_wait3A_13 = arith.constant 0 : i32
      %dma_wait3A_14 = tpu.memref_slice %arg5[%mul3A_2, %dma_wait3A_13] : memref<2048x768xf32, #tpu.memory_space<hbm>> -> memref<64x768xf32, #tpu.memory_space<hbm>>
      tpu.wait_dma2 semaphore(%run_scoped3A : memref<!tpu.dma_semaphore, #tpu.memory_space<semaphore_mem>>) src(%arg11 : memref<64x768xf32, #tpu.memory_space<vmem>>) dst(%dma_wait3A_14 : memref<64x768xf32, #tpu.memory_space<hbm>>)
      tpu.yield
    }) : () -> ()
    return
  }
}

module attributes {stable_mosaic.version = 14 : i64} {
  func.func @_matmul_kernel(%arg0: i32, %arg1: memref<2048x768xf32, #tpu.memory_space<vmem>>, %arg2: memref<512x768xf32, #tpu.memory_space<vmem>>, %arg3: memref<2048x512xf32, #tpu.memory_space<vmem>>, %arg4: memref<1x4x2048xf32, #tpu.memory_space<vmem>>) attributes {dimension_semantics = [#tpu.dimension_semantics<parallel>], iteration_bounds = array<i64: 196>, scalar_prefetch = 0 : i64, scratch_operands = 0 : i64, tpu.core_type = #tpu.core_type<tc>, window_params = [{pipeline_mode = #tpu.pipeline_mode<synchronous>, transform_indices = @transform_0, window_bounds = array<i64: 2048, 768>}, {transform_indices = @transform_1, window_bounds = array<i64: 512, 768>}, {transform_indices = @transform_2, window_bounds = array<i64: 2048, 512>}, {transform_indices = @transform_3, window_bounds = array<i64: 1, 4, 2048>}]} {
    %get3A = arith.constant 0 : index
    %get3A_0 = arith.constant 0 : index
    %get3A_1 = vector.load %arg1[%get3A, %get3A_0] : memref<2048x768xf32, #tpu.memory_space<vmem>>, vector<2048x768xf32>
    %get3A_2 = arith.constant 0 : index
    %get3A_3 = arith.constant 0 : index
    %get3A_4 = vector.load %arg2[%get3A_2, %get3A_3] : memref<512x768xf32, #tpu.memory_space<vmem>>, vector<512x768xf32>
    %dot_general3A = arith.constant dense<0.000000e+00> : vector<2048x512xf32>
    %dot_general3A_5 = tpu.matmul %get3A_1, %get3A_4, %dot_general3A {dimension_numbers = #tpu.dot_dimension_numbers<[1], [1], [0], [0], [0, 0, 1, 0], [], []>, transpose_lhs_hint = false} : vector<2048x768xf32>, vector<512x768xf32>, vector<2048x512xf32> -> vector<2048x512xf32>
    %mul3A = arith.constant 512 : i32
    %mul3A_6 = arith.muli %arg0, %mul3A : i32
    %iota3A = tpu.iota {dimensions = array<i32: 1>} : vector<2048x512xi32>
    %add3A = vector.broadcast %mul3A_6 : i32 to vector<2048x512xi32>
    %add3A_7 = arith.addi %add3A, %iota3A : vector<2048x512xi32>
    %lt3A = arith.constant 100000 : i32
    %lt3A_8 = vector.broadcast %lt3A : i32 to vector<2048x512xi32>
    %lt3A_9 = arith.cmpi slt, %add3A_7, %lt3A_8 : vector<2048x512xi32>
    %jit3A = arith.constant -3.000000e+38 : f32
    %broadcast_in_dim3A = vector.broadcast %jit3A : f32 to vector<2048x512xf32>
    %select_n3A = arith.select %lt3A_9, %dot_general3A_5, %broadcast_in_dim3A : vector<2048x512xi1>, vector<2048x512xf32>
    %swap3A = arith.constant 0 : index
    %swap3A_10 = arith.constant 0 : index
    %swap3A_11 = vector.load %arg3[%swap3A, %swap3A_10] : memref<2048x512xf32, #tpu.memory_space<vmem>>, vector<2048x512xf32>
    tpu.vector_store %arg3[%swap3A, %swap3A_10], %select_n3A {strides = array<i32>} : memref<2048x512xf32, #tpu.memory_space<vmem>>, vector<2048x512xf32>,
    %reshape3A = vector.shape_cast %select_n3A : vector<2048x512xf32> to vector<2048x4x128xf32>
    %reduce_max3A = arith.constant dense<0xFF800000> : vector<2048x4xf32>
    %reduce_max3A_12 = vector.multi_reduction <maximumf>, %reshape3A, %reduce_max3A [2] : vector<2048x4x128xf32> to vector<2048x4xf32>
    %transpose3A = tpu.transpose %reduce_max3A_12, [1, 0] : vector<2048x4xf32> -> vector<4x2048xf32>
    %reshape3A_13 = vector.shape_cast %transpose3A : vector<4x2048xf32> to vector<1x4x2048xf32>
    %swap3A_14 = arith.constant 0 : index
    %swap3A_15 = arith.constant 0 : index
    %swap3A_16 = arith.constant 0 : index
    %swap3A_17 = vector.load %arg4[%swap3A_14, %swap3A_15, %swap3A_16] : memref<1x4x2048xf32, #tpu.memory_space<vmem>>, vector<1x4x2048xf32>
    tpu.vector_store %arg4[%swap3A_14, %swap3A_15, %swap3A_16], %reshape3A_13 {strides = array<i32>} : memref<1x4x2048xf32, #tpu.memory_space<vmem>>, vector<1x4x2048xf32>,
    return
  }
  func.func @transform_0(%arg0: i32) -> (i32, i32) {
    %c0_i32 = arith.constant 0 : i32
    %c0_i32_0 = arith.constant 0 : i32
    %c0_i32_1 = arith.constant 0 : i32
    return %c0_i32, %c0_i32_0 : i32, i32
  }
  func.func @transform_1(%arg0: i32) -> (i32, i32) {
    %c0_i32 = arith.constant 0 : i32
    %c0_i32_0 = arith.constant 0 : i32
    return %arg0, %c0_i32 : i32, i32
  }
  func.func @transform_2(%arg0: i32) -> (i32, i32) {
    %c0_i32 = arith.constant 0 : i32
    %c0_i32_0 = arith.constant 0 : i32
    return %c0_i32, %arg0 : i32, i32
  }
  func.func @transform_3(%arg0: i32) -> (i32, i32, i32) {
    %c0_i32 = arith.constant 0 : i32
    %c0_i32_0 = arith.constant 0 : i32
    %c0_i32_1 = arith.constant 0 : i32
    return %arg0, %c0_i32, %c0_i32_0 : i32, i32, i32
  }
}

module attributes {stable_mosaic.version = 14 : i64} {
  func.func @_top_groups_kernel(%arg0: i32, %arg1: memref<196x4x256xf32, #tpu.memory_space<vmem>>, %arg2: memref<16x256xf32, #tpu.memory_space<vmem>>, %arg3: memref<16x256xi32, #tpu.memory_space<vmem>>) attributes {dimension_semantics = [#tpu.dimension_semantics<parallel>], iteration_bounds = array<i64: 8>, scalar_prefetch = 0 : i64, scratch_operands = 0 : i64, tpu.core_type = #tpu.core_type<tc>, window_params = [{transform_indices = @transform_0, window_bounds = array<i64: 196, 4, 256>}, {transform_indices = @transform_1, window_bounds = array<i64: 16, 256>}, {transform_indices = @transform_2, window_bounds = array<i64: 16, 256>}]} {
    %get3A = arith.constant 0 : index
    %get3A_0 = arith.constant 0 : index
    %get3A_1 = arith.constant 0 : index
    %get3A_2 = vector.load %arg1[%get3A, %get3A_0, %get3A_1] : memref<196x4x256xf32, #tpu.memory_space<vmem>>, vector<196x4x256xf32>
    %iota3A = tpu.iota {dimensions = array<i32: 0>} : vector<196x4x256xi32>
    %iota3A_3 = tpu.iota {dimensions = array<i32: 1>} : vector<196x4x256xi32>
    %mul3A = arith.constant 4 : i32
    %mul3A_4 = vector.broadcast %mul3A : i32 to vector<196x4x256xi32>
    %mul3A_5 = arith.muli %iota3A, %mul3A_4 : vector<196x4x256xi32>
    %add3A = arith.addi %mul3A_5, %iota3A_3 : vector<196x4x256xi32>
    %reduce_max3A = arith.constant dense<0xFF800000> : vector<196x256xf32>
    %reduce_max3A_6 = vector.multi_reduction <maximumf>, %get3A_2, %reduce_max3A [1] : vector<196x4x256xf32> to vector<196x256xf32>
    %reduce_max3A_7 = arith.constant dense<0xFF800000> : vector<256xf32>
    %reduce_max3A_8 = vector.multi_reduction <maximumf>, %reduce_max3A_6, %reduce_max3A_7 [0] : vector<196x256xf32> to vector<256xf32>
    %broadcast_in_dim3A = vector.shape_cast %reduce_max3A_8 : vector<256xf32> to vector<1x1x256xf32>
    %eq3A = vector.broadcast %broadcast_in_dim3A : vector<1x1x256xf32> to vector<196x4x256xf32>
    %eq3A_9 = arith.cmpf oeq, %get3A_2, %eq3A : vector<196x4x256xf32>
    %jit3A = arith.constant 1073741824 : i32
    %broadcast_in_dim3A_10 = vector.broadcast %jit3A : i32 to vector<196x4x256xi32>
    %select_n3A = arith.select %eq3A_9, %add3A, %broadcast_in_dim3A_10 : vector<196x4x256xi1>, vector<196x4x256xi32>
    %reduce_min3A = arith.constant dense<2147483647> : vector<196x256xi32>
    %reduce_min3A_11 = vector.multi_reduction <minsi>, %select_n3A, %reduce_min3A [1] : vector<196x4x256xi32> to vector<196x256xi32>
    %reduce_min3A_12 = arith.constant dense<2147483647> : vector<256xi32>
    %reduce_min3A_13 = vector.multi_reduction <minsi>, %reduce_min3A_11, %reduce_min3A_12 [0] : vector<196x256xi32> to vector<256xi32>
    %broadcast_in_dim3A_14 = vector.shape_cast %reduce_min3A_13 : vector<256xi32> to vector<1x1x256xi32>
    %eq3A_15 = vector.broadcast %broadcast_in_dim3A_14 : vector<1x1x256xi32> to vector<196x4x256xi32>
    %eq3A_16 = arith.cmpi eq, %add3A, %eq3A_15 : vector<196x4x256xi32>
    %jit3A_17 = arith.constant -3.000000e+38 : f32
    %broadcast_in_dim3A_18 = vector.broadcast %jit3A_17 : f32 to vector<196x4x256xf32>
    %select_n3A_19 = arith.select %eq3A_16, %broadcast_in_dim3A_18, %get3A_2 : vector<196x4x256xi1>, vector<196x4x256xf32>
    %reduce_max3A_20 = arith.constant dense<0xFF800000> : vector<196x256xf32>
    %reduce_max3A_21 = vector.multi_reduction <maximumf>, %select_n3A_19, %reduce_max3A_20 [1] : vector<196x4x256xf32> to vector<196x256xf32>
    %reduce_max3A_22 = arith.constant dense<0xFF800000> : vector<256xf32>
    %reduce_max3A_23 = vector.multi_reduction <maximumf>, %reduce_max3A_21, %reduce_max3A_22 [0] : vector<196x256xf32> to vector<256xf32>
    %broadcast_in_dim3A_24 = vector.shape_cast %reduce_max3A_23 : vector<256xf32> to vector<1x1x256xf32>
    %eq3A_25 = vector.broadcast %broadcast_in_dim3A_24 : vector<1x1x256xf32> to vector<196x4x256xf32>
    %eq3A_26 = arith.cmpf oeq, %select_n3A_19, %eq3A_25 : vector<196x4x256xf32>
    %jit3A_27 = arith.constant 1073741824 : i32
    %broadcast_in_dim3A_28 = vector.broadcast %jit3A_27 : i32 to vector<196x4x256xi32>
    %select_n3A_29 = arith.select %eq3A_26, %add3A, %broadcast_in_dim3A_28 : vector<196x4x256xi1>, vector<196x4x256xi32>
    %reduce_min3A_30 = arith.constant dense<2147483647> : vector<196x256xi32>
    %reduce_min3A_31 = vector.multi_reduction <minsi>, %select_n3A_29, %reduce_min3A_30 [1] : vector<196x4x256xi32> to vector<196x256xi32>
    %reduce_min3A_32 = arith.constant dense<2147483647> : vector<256xi32>
    %reduce_min3A_33 = vector.multi_reduction <minsi>, %reduce_min3A_31, %reduce_min3A_32 [0] : vector<196x256xi32> to vector<256xi32>
    %broadcast_in_dim3A_34 = vector.shape_cast %reduce_min3A_33 : vector<256xi32> to vector<1x1x256xi32>
    %eq3A_35 = vector.broadcast %broadcast_in_dim3A_34 : vector<1x1x256xi32> to vector<196x4x256xi32>
    %eq3A_36 = arith.cmpi eq, %add3A, %eq3A_35 : vector<196x4x256xi32>
    %jit3A_37 = arith.constant -3.000000e+38 : f32
    %broadcast_in_dim3A_38 = vector.broadcast %jit3A_37 : f32 to vector<196x4x256xf32>
    %select_n3A_39 = arith.select %eq3A_36, %broadcast_in_dim3A_38, %select_n3A_19 : vector<196x4x256xi1>, vector<196x4x256xf32>
    %reduce_max3A_40 = arith.constant dense<0xFF800000> : vector<196x256xf32>
    %reduce_max3A_41 = vector.multi_reduction <maximumf>, %select_n3A_39, %reduce_max3A_40 [1] : vector<196x4x256xf32> to vector<196x256xf32>
    %reduce_max3A_42 = arith.constant dense<0xFF800000> : vector<256xf32>
    %reduce_max3A_43 = vector.multi_reduction <maximumf>, %reduce_max3A_41, %reduce_max3A_42 [0] : vector<196x256xf32> to vector<256xf32>
    %broadcast_in_dim3A_44 = vector.shape_cast %reduce_max3A_43 : vector<256xf32> to vector<1x1x256xf32>
    %eq3A_45 = vector.broadcast %broadcast_in_dim3A_44 : vector<1x1x256xf32> to vector<196x4x256xf32>
    %eq3A_46 = arith.cmpf oeq, %select_n3A_39, %eq3A_45 : vector<196x4x256xf32>
    %jit3A_47 = arith.constant 1073741824 : i32
    %broadcast_in_dim3A_48 = vector.broadcast %jit3A_47 : i32 to vector<196x4x256xi32>
    %select_n3A_49 = arith.select %eq3A_46, %add3A, %broadcast_in_dim3A_48 : vector<196x4x256xi1>, vector<196x4x256xi32>
    %reduce_min3A_50 = arith.constant dense<2147483647> : vector<196x256xi32>
    %reduce_min3A_51 = vector.multi_reduction <minsi>, %select_n3A_49, %reduce_min3A_50 [1] : vector<196x4x256xi32> to vector<196x256xi32>
    %reduce_min3A_52 = arith.constant dense<2147483647> : vector<256xi32>
    %reduce_min3A_53 = vector.multi_reduction <minsi>, %reduce_min3A_51, %reduce_min3A_52 [0] : vector<196x256xi32> to vector<256xi32>
    %broadcast_in_dim3A_54 = vector.shape_cast %reduce_min3A_53 : vector<256xi32> to vector<1x1x256xi32>
    %eq3A_55 = vector.broadcast %broadcast_in_dim3A_54 : vector<1x1x256xi32> to vector<196x4x256xi32>
    %eq3A_56 = arith.cmpi eq, %add3A, %eq3A_55 : vector<196x4x256xi32>
    %jit3A_57 = arith.constant -3.000000e+38 : f32
    %broadcast_in_dim3A_58 = vector.broadcast %jit3A_57 : f32 to vector<196x4x256xf32>
    %select_n3A_59 = arith.select %eq3A_56, %broadcast_in_dim3A_58, %select_n3A_39 : vector<196x4x256xi1>, vector<196x4x256xf32>
    %reduce_max3A_60 = arith.constant dense<0xFF800000> : vector<196x256xf32>
    %reduce_max3A_61 = vector.multi_reduction <maximumf>, %select_n3A_59, %reduce_max3A_60 [1] : vector<196x4x256xf32> to vector<196x256xf32>
    %reduce_max3A_62 = arith.constant dense<0xFF800000> : vector<256xf32>
    %reduce_max3A_63 = vector.multi_reduction <maximumf>, %reduce_max3A_61, %reduce_max3A_62 [0] : vector<196x256xf32> to vector<256xf32>
    %broadcast_in_dim3A_64 = vector.shape_cast %reduce_max3A_63 : vector<256xf32> to vector<1x1x256xf32>
    %eq3A_65 = vector.broadcast %broadcast_in_dim3A_64 : vector<1x1x256xf32> to vector<196x4x256xf32>
    %eq3A_66 = arith.cmpf oeq, %select_n3A_59, %eq3A_65 : vector<196x4x256xf32>
    %jit3A_67 = arith.constant 1073741824 : i32
    %broadcast_in_dim3A_68 = vector.broadcast %jit3A_67 : i32 to vector<196x4x256xi32>
    %select_n3A_69 = arith.select %eq3A_66, %add3A, %broadcast_in_dim3A_68 : vector<196x4x256xi1>, vector<196x4x256xi32>
    %reduce_min3A_70 = arith.constant dense<2147483647> : vector<196x256xi32>
    %reduce_min3A_71 = vector.multi_reduction <minsi>, %select_n3A_69, %reduce_min3A_70 [1] : vector<196x4x256xi32> to vector<196x256xi32>
    %reduce_min3A_72 = arith.constant dense<2147483647> : vector<256xi32>
    %reduce_min3A_73 = vector.multi_reduction <minsi>, %reduce_min3A_71, %reduce_min3A_72 [0] : vector<196x256xi32> to vector<256xi32>
    %broadcast_in_dim3A_74 = vector.shape_cast %reduce_min3A_73 : vector<256xi32> to vector<1x1x256xi32>
    %eq3A_75 = vector.broadcast %broadcast_in_dim3A_74 : vector<1x1x256xi32> to vector<196x4x256xi32>
    %eq3A_76 = arith.cmpi eq, %add3A, %eq3A_75 : vector<196x4x256xi32>
    %jit3A_77 = arith.constant -3.000000e+38 : f32
    %broadcast_in_dim3A_78 = vector.broadcast %jit3A_77 : f32 to vector<196x4x256xf32>
    %select_n3A_79 = arith.select %eq3A_76, %broadcast_in_dim3A_78, %select_n3A_59 : vector<196x4x256xi1>, vector<196x4x256xf32>
    %reduce_max3A_80 = arith.constant dense<0xFF800000> : vector<196x256xf32>
    %reduce_max3A_81 = vector.multi_reduction <maximumf>, %select_n3A_79, %reduce_max3A_80 [1] : vector<196x4x256xf32> to vector<196x256xf32>
    %reduce_max3A_82 = arith.constant dense<0xFF800000> : vector<256xf32>
    %reduce_max3A_83 = vector.multi_reduction <maximumf>, %reduce_max3A_81, %reduce_max3A_82 [0] : vector<196x256xf32> to vector<256xf32>
    %broadcast_in_dim3A_84 = vector.shape_cast %reduce_max3A_83 : vector<256xf32> to vector<1x1x256xf32>
    %eq3A_85 = vector.broadcast %broadcast_in_dim3A_84 : vector<1x1x256xf32> to vector<196x4x256xf32>
    %eq3A_86 = arith.cmpf oeq, %select_n3A_79, %eq3A_85 : vector<196x4x256xf32>
    %jit3A_87 = arith.constant 1073741824 : i32
    %broadcast_in_dim3A_88 = vector.broadcast %jit3A_87 : i32 to vector<196x4x256xi32>
    %select_n3A_89 = arith.select %eq3A_86, %add3A, %broadcast_in_dim3A_88 : vector<196x4x256xi1>, vector<196x4x256xi32>
    %reduce_min3A_90 = arith.constant dense<2147483647> : vector<196x256xi32>
    %reduce_min3A_91 = vector.multi_reduction <minsi>, %select_n3A_89, %reduce_min3A_90 [1] : vector<196x4x256xi32> to vector<196x256xi32>
    %reduce_min3A_92 = arith.constant dense<2147483647> : vector<256xi32>
    %reduce_min3A_93 = vector.multi_reduction <minsi>, %reduce_min3A_91, %reduce_min3A_92 [0] : vector<196x256xi32> to vector<256xi32>
    %broadcast_in_dim3A_94 = vector.shape_cast %reduce_min3A_93 : vector<256xi32> to vector<1x1x256xi32>
    %eq3A_95 = vector.broadcast %broadcast_in_dim3A_94 : vector<1x1x256xi32> to vector<196x4x256xi32>
    %eq3A_96 = arith.cmpi eq, %add3A, %eq3A_95 : vector<196x4x256xi32>
    %jit3A_97 = arith.constant -3.000000e+38 : f32
    %broadcast_in_dim3A_98 = vector.broadcast %jit3A_97 : f32 to vector<196x4x256xf32>
    %select_n3A_99 = arith.select %eq3A_96, %broadcast_in_dim3A_98, %select_n3A_79 : vector<196x4x256xi1>, vector<196x4x256xf32>
    %reduce_max3A_100 = arith.constant dense<0xFF800000> : vector<196x256xf32>
    %reduce_max3A_101 = vector.multi_reduction <maximumf>, %select_n3A_99, %reduce_max3A_100 [1] : vector<196x4x256xf32> to vector<196x256xf32>
    %reduce_max3A_102 = arith.constant dense<0xFF800000> : vector<256xf32>
    %reduce_max3A_103 = vector.multi_reduction <maximumf>, %reduce_max3A_101, %reduce_max3A_102 [0] : vector<196x256xf32> to vector<256xf32>
    %broadcast_in_dim3A_104 = vector.shape_cast %reduce_max3A_103 : vector<256xf32> to vector<1x1x256xf32>
    %eq3A_105 = vector.broadcast %broadcast_in_dim3A_104 : vector<1x1x256xf32> to vector<196x4x256xf32>
    %eq3A_106 = arith.cmpf oeq, %select_n3A_99, %eq3A_105 : vector<196x4x256xf32>
    %jit3A_107 = arith.constant 1073741824 : i32
    %broadcast_in_dim3A_108 = vector.broadcast %jit3A_107 : i32 to vector<196x4x256xi32>
    %select_n3A_109 = arith.select %eq3A_106, %add3A, %broadcast_in_dim3A_108 : vector<196x4x256xi1>, vector<196x4x256xi32>
    %reduce_min3A_110 = arith.constant dense<2147483647> : vector<196x256xi32>
    %reduce_min3A_111 = vector.multi_reduction <minsi>, %select_n3A_109, %reduce_min3A_110 [1] : vector<196x4x256xi32> to vector<196x256xi32>
    %reduce_min3A_112 = arith.constant dense<2147483647> : vector<256xi32>
    %reduce_min3A_113 = vector.multi_reduction <minsi>, %reduce_min3A_111, %reduce_min3A_112 [0] : vector<196x256xi32> to vector<256xi32>
    %broadcast_in_dim3A_114 = vector.shape_cast %reduce_min3A_113 : vector<256xi32> to vector<1x1x256xi32>
    %eq3A_115 = vector.broadcast %broadcast_in_dim3A_114 : vector<1x1x256xi32> to vector<196x4x256xi32>
    %eq3A_116 = arith.cmpi eq, %add3A, %eq3A_115 : vector<196x4x256xi32>
    %jit3A_117 = arith.constant -3.000000e+38 : f32
    %broadcast_in_dim3A_118 = vector.broadcast %jit3A_117 : f32 to vector<196x4x256xf32>
    %select_n3A_119 = arith.select %eq3A_116, %broadcast_in_dim3A_118, %select_n3A_99 : vector<196x4x256xi1>, vector<196x4x256xf32>
    %reduce_max3A_120 = arith.constant dense<0xFF800000> : vector<196x256xf32>
    %reduce_max3A_121 = vector.multi_reduction <maximumf>, %select_n3A_119, %reduce_max3A_120 [1] : vector<196x4x256xf32> to vector<196x256xf32>
    %reduce_max3A_122 = arith.constant dense<0xFF800000> : vector<256xf32>
    %reduce_max3A_123 = vector.multi_reduction <maximumf>, %reduce_max3A_121, %reduce_max3A_122 [0] : vector<196x256xf32> to vector<256xf32>
    %broadcast_in_dim3A_124 = vector.shape_cast %reduce_max3A_123 : vector<256xf32> to vector<1x1x256xf32>
    %eq3A_125 = vector.broadcast %broadcast_in_dim3A_124 : vector<1x1x256xf32> to vector<196x4x256xf32>
    %eq3A_126 = arith.cmpf oeq, %select_n3A_119, %eq3A_125 : vector<196x4x256xf32>
    %jit3A_127 = arith.constant 1073741824 : i32
    %broadcast_in_dim3A_128 = vector.broadcast %jit3A_127 : i32 to vector<196x4x256xi32>
    %select_n3A_129 = arith.select %eq3A_126, %add3A, %broadcast_in_dim3A_128 : vector<196x4x256xi1>, vector<196x4x256xi32>
    %reduce_min3A_130 = arith.constant dense<2147483647> : vector<196x256xi32>
    %reduce_min3A_131 = vector.multi_reduction <minsi>, %select_n3A_129, %reduce_min3A_130 [1] : vector<196x4x256xi32> to vector<196x256xi32>
    %reduce_min3A_132 = arith.constant dense<2147483647> : vector<256xi32>
    %reduce_min3A_133 = vector.multi_reduction <minsi>, %reduce_min3A_131, %reduce_min3A_132 [0] : vector<196x256xi32> to vector<256xi32>
    %broadcast_in_dim3A_134 = vector.shape_cast %reduce_min3A_133 : vector<256xi32> to vector<1x1x256xi32>
    %eq3A_135 = vector.broadcast %broadcast_in_dim3A_134 : vector<1x1x256xi32> to vector<196x4x256xi32>
    %eq3A_136 = arith.cmpi eq, %add3A, %eq3A_135 : vector<196x4x256xi32>
    %jit3A_137 = arith.constant -3.000000e+38 : f32
    %broadcast_in_dim3A_138 = vector.broadcast %jit3A_137 : f32 to vector<196x4x256xf32>
    %select_n3A_139 = arith.select %eq3A_136, %broadcast_in_dim3A_138, %select_n3A_119 : vector<196x4x256xi1>, vector<196x4x256xf32>
    %reduce_max3A_140 = arith.constant dense<0xFF800000> : vector<196x256xf32>
    %reduce_max3A_141 = vector.multi_reduction <maximumf>, %select_n3A_139, %reduce_max3A_140 [1] : vector<196x4x256xf32> to vector<196x256xf32>
    %reduce_max3A_142 = arith.constant dense<0xFF800000> : vector<256xf32>
    %reduce_max3A_143 = vector.multi_reduction <maximumf>, %reduce_max3A_141, %reduce_max3A_142 [0] : vector<196x256xf32> to vector<256xf32>
    %broadcast_in_dim3A_144 = vector.shape_cast %reduce_max3A_143 : vector<256xf32> to vector<1x1x256xf32>
    %eq3A_145 = vector.broadcast %broadcast_in_dim3A_144 : vector<1x1x256xf32> to vector<196x4x256xf32>
    %eq3A_146 = arith.cmpf oeq, %select_n3A_139, %eq3A_145 : vector<196x4x256xf32>
    %jit3A_147 = arith.constant 1073741824 : i32
    %broadcast_in_dim3A_148 = vector.broadcast %jit3A_147 : i32 to vector<196x4x256xi32>
    %select_n3A_149 = arith.select %eq3A_146, %add3A, %broadcast_in_dim3A_148 : vector<196x4x256xi1>, vector<196x4x256xi32>
    %reduce_min3A_150 = arith.constant dense<2147483647> : vector<196x256xi32>
    %reduce_min3A_151 = vector.multi_reduction <minsi>, %select_n3A_149, %reduce_min3A_150 [1] : vector<196x4x256xi32> to vector<196x256xi32>
    %reduce_min3A_152 = arith.constant dense<2147483647> : vector<256xi32>
    %reduce_min3A_153 = vector.multi_reduction <minsi>, %reduce_min3A_151, %reduce_min3A_152 [0] : vector<196x256xi32> to vector<256xi32>
    %broadcast_in_dim3A_154 = vector.shape_cast %reduce_min3A_153 : vector<256xi32> to vector<1x1x256xi32>
    %eq3A_155 = vector.broadcast %broadcast_in_dim3A_154 : vector<1x1x256xi32> to vector<196x4x256xi32>
    %eq3A_156 = arith.cmpi eq, %add3A, %eq3A_155 : vector<196x4x256xi32>
    %jit3A_157 = arith.constant -3.000000e+38 : f32
    %broadcast_in_dim3A_158 = vector.broadcast %jit3A_157 : f32 to vector<196x4x256xf32>
    %select_n3A_159 = arith.select %eq3A_156, %broadcast_in_dim3A_158, %select_n3A_139 : vector<196x4x256xi1>, vector<196x4x256xf32>
    %reduce_max3A_160 = arith.constant dense<0xFF800000> : vector<196x256xf32>
    %reduce_max3A_161 = vector.multi_reduction <maximumf>, %select_n3A_159, %reduce_max3A_160 [1] : vector<196x4x256xf32> to vector<196x256xf32>
    %reduce_max3A_162 = arith.constant dense<0xFF800000> : vector<256xf32>
    %reduce_max3A_163 = vector.multi_reduction <maximumf>, %reduce_max3A_161, %reduce_max3A_162 [0] : vector<196x256xf32> to vector<256xf32>
    %broadcast_in_dim3A_164 = vector.shape_cast %reduce_max3A_163 : vector<256xf32> to vector<1x1x256xf32>
    %eq3A_165 = vector.broadcast %broadcast_in_dim3A_164 : vector<1x1x256xf32> to vector<196x4x256xf32>
    %eq3A_166 = arith.cmpf oeq, %select_n3A_159, %eq3A_165 : vector<196x4x256xf32>
    %jit3A_167 = arith.constant 1073741824 : i32
    %broadcast_in_dim3A_168 = vector.broadcast %jit3A_167 : i32 to vector<196x4x256xi32>
    %select_n3A_169 = arith.select %eq3A_166, %add3A, %broadcast_in_dim3A_168 : vector<196x4x256xi1>, vector<196x4x256xi32>
    %reduce_min3A_170 = arith.constant dense<2147483647> : vector<196x256xi32>
    %reduce_min3A_171 = vector.multi_reduction <minsi>, %select_n3A_169, %reduce_min3A_170 [1] : vector<196x4x256xi32> to vector<196x256xi32>
    %reduce_min3A_172 = arith.constant dense<2147483647> : vector<256xi32>
    %reduce_min3A_173 = vector.multi_reduction <minsi>, %reduce_min3A_171, %reduce_min3A_172 [0] : vector<196x256xi32> to vector<256xi32>
    %broadcast_in_dim3A_174 = vector.shape_cast %reduce_min3A_173 : vector<256xi32> to vector<1x1x256xi32>
    %eq3A_175 = vector.broadcast %broadcast_in_dim3A_174 : vector<1x1x256xi32> to vector<196x4x256xi32>
    %eq3A_176 = arith.cmpi eq, %add3A, %eq3A_175 : vector<196x4x256xi32>
    %jit3A_177 = arith.constant -3.000000e+38 : f32
    %broadcast_in_dim3A_178 = vector.broadcast %jit3A_177 : f32 to vector<196x4x256xf32>
    %select_n3A_179 = arith.select %eq3A_176, %broadcast_in_dim3A_178, %select_n3A_159 : vector<196x4x256xi1>, vector<196x4x256xf32>
    %reduce_max3A_180 = arith.constant dense<0xFF800000> : vector<196x256xf32>
    %reduce_max3A_181 = vector.multi_reduction <maximumf>, %select_n3A_179, %reduce_max3A_180 [1] : vector<196x4x256xf32> to vector<196x256xf32>
    %reduce_max3A_182 = arith.constant dense<0xFF800000> : vector<256xf32>
    %reduce_max3A_183 = vector.multi_reduction <maximumf>, %reduce_max3A_181, %reduce_max3A_182 [0] : vector<196x256xf32> to vector<256xf32>
    %broadcast_in_dim3A_184 = vector.shape_cast %reduce_max3A_183 : vector<256xf32> to vector<1x1x256xf32>
    %eq3A_185 = vector.broadcast %broadcast_in_dim3A_184 : vector<1x1x256xf32> to vector<196x4x256xf32>
    %eq3A_186 = arith.cmpf oeq, %select_n3A_179, %eq3A_185 : vector<196x4x256xf32>
    %jit3A_187 = arith.constant 1073741824 : i32
    %broadcast_in_dim3A_188 = vector.broadcast %jit3A_187 : i32 to vector<196x4x256xi32>
    %select_n3A_189 = arith.select %eq3A_186, %add3A, %broadcast_in_dim3A_188 : vector<196x4x256xi1>, vector<196x4x256xi32>
    %reduce_min3A_190 = arith.constant dense<2147483647> : vector<196x256xi32>
    %reduce_min3A_191 = vector.multi_reduction <minsi>, %select_n3A_189, %reduce_min3A_190 [1] : vector<196x4x256xi32> to vector<196x256xi32>
    %reduce_min3A_192 = arith.constant dense<2147483647> : vector<256xi32>
    %reduce_min3A_193 = vector.multi_reduction <minsi>, %reduce_min3A_191, %reduce_min3A_192 [0] : vector<196x256xi32> to vector<256xi32>
    %broadcast_in_dim3A_194 = vector.shape_cast %reduce_min3A_193 : vector<256xi32> to vector<1x1x256xi32>
    %eq3A_195 = vector.broadcast %broadcast_in_dim3A_194 : vector<1x1x256xi32> to vector<196x4x256xi32>
    %eq3A_196 = arith.cmpi eq, %add3A, %eq3A_195 : vector<196x4x256xi32>
    %jit3A_197 = arith.constant -3.000000e+38 : f32
    %broadcast_in_dim3A_198 = vector.broadcast %jit3A_197 : f32 to vector<196x4x256xf32>
    %select_n3A_199 = arith.select %eq3A_196, %broadcast_in_dim3A_198, %select_n3A_179 : vector<196x4x256xi1>, vector<196x4x256xf32>
    %reduce_max3A_200 = arith.constant dense<0xFF800000> : vector<196x256xf32>
    %reduce_max3A_201 = vector.multi_reduction <maximumf>, %select_n3A_199, %reduce_max3A_200 [1] : vector<196x4x256xf32> to vector<196x256xf32>
    %reduce_max3A_202 = arith.constant dense<0xFF800000> : vector<256xf32>
    %reduce_max3A_203 = vector.multi_reduction <maximumf>, %reduce_max3A_201, %reduce_max3A_202 [0] : vector<196x256xf32> to vector<256xf32>
    %broadcast_in_dim3A_204 = vector.shape_cast %reduce_max3A_203 : vector<256xf32> to vector<1x1x256xf32>
    %eq3A_205 = vector.broadcast %broadcast_in_dim3A_204 : vector<1x1x256xf32> to vector<196x4x256xf32>
    %eq3A_206 = arith.cmpf oeq, %select_n3A_199, %eq3A_205 : vector<196x4x256xf32>
    %jit3A_207 = arith.constant 1073741824 : i32
    %broadcast_in_dim3A_208 = vector.broadcast %jit3A_207 : i32 to vector<196x4x256xi32>
    %select_n3A_209 = arith.select %eq3A_206, %add3A, %broadcast_in_dim3A_208 : vector<196x4x256xi1>, vector<196x4x256xi32>
    %reduce_min3A_210 = arith.constant dense<2147483647> : vector<196x256xi32>
    %reduce_min3A_211 = vector.multi_reduction <minsi>, %select_n3A_209, %reduce_min3A_210 [1] : vector<196x4x256xi32> to vector<196x256xi32>
    %reduce_min3A_212 = arith.constant dense<2147483647> : vector<256xi32>
    %reduce_min3A_213 = vector.multi_reduction <minsi>, %reduce_min3A_211, %reduce_min3A_212 [0] : vector<196x256xi32> to vector<256xi32>
    %broadcast_in_dim3A_214 = vector.shape_cast %reduce_min3A_213 : vector<256xi32> to vector<1x1x256xi32>
    %eq3A_215 = vector.broadcast %broadcast_in_dim3A_214 : vector<1x1x256xi32> to vector<196x4x256xi32>
    %eq3A_216 = arith.cmpi eq, %add3A, %eq3A_215 : vector<196x4x256xi32>
    %jit3A_217 = arith.constant -3.000000e+38 : f32
    %broadcast_in_dim3A_218 = vector.broadcast %jit3A_217 : f32 to vector<196x4x256xf32>
    %select_n3A_219 = arith.select %eq3A_216, %broadcast_in_dim3A_218, %select_n3A_199 : vector<196x4x256xi1>, vector<196x4x256xf32>
    %reduce_max3A_220 = arith.constant dense<0xFF800000> : vector<196x256xf32>
    %reduce_max3A_221 = vector.multi_reduction <maximumf>, %select_n3A_219, %reduce_max3A_220 [1] : vector<196x4x256xf32> to vector<196x256xf32>
    %reduce_max3A_222 = arith.constant dense<0xFF800000> : vector<256xf32>
    %reduce_max3A_223 = vector.multi_reduction <maximumf>, %reduce_max3A_221, %reduce_max3A_222 [0] : vector<196x256xf32> to vector<256xf32>
    %broadcast_in_dim3A_224 = vector.shape_cast %reduce_max3A_223 : vector<256xf32> to vector<1x1x256xf32>
    %eq3A_225 = vector.broadcast %broadcast_in_dim3A_224 : vector<1x1x256xf32> to vector<196x4x256xf32>
    %eq3A_226 = arith.cmpf oeq, %select_n3A_219, %eq3A_225 : vector<196x4x256xf32>
    %jit3A_227 = arith.constant 1073741824 : i32
    %broadcast_in_dim3A_228 = vector.broadcast %jit3A_227 : i32 to vector<196x4x256xi32>
    %select_n3A_229 = arith.select %eq3A_226, %add3A, %broadcast_in_dim3A_228 : vector<196x4x256xi1>, vector<196x4x256xi32>
    %reduce_min3A_230 = arith.constant dense<2147483647> : vector<196x256xi32>
    %reduce_min3A_231 = vector.multi_reduction <minsi>, %select_n3A_229, %reduce_min3A_230 [1] : vector<196x4x256xi32> to vector<196x256xi32>
    %reduce_min3A_232 = arith.constant dense<2147483647> : vector<256xi32>
    %reduce_min3A_233 = vector.multi_reduction <minsi>, %reduce_min3A_231, %reduce_min3A_232 [0] : vector<196x256xi32> to vector<256xi32>
    %broadcast_in_dim3A_234 = vector.shape_cast %reduce_min3A_233 : vector<256xi32> to vector<1x1x256xi32>
    %eq3A_235 = vector.broadcast %broadcast_in_dim3A_234 : vector<1x1x256xi32> to vector<196x4x256xi32>
    %eq3A_236 = arith.cmpi eq, %add3A, %eq3A_235 : vector<196x4x256xi32>
    %jit3A_237 = arith.constant -3.000000e+38 : f32
    %broadcast_in_dim3A_238 = vector.broadcast %jit3A_237 : f32 to vector<196x4x256xf32>
    %select_n3A_239 = arith.select %eq3A_236, %broadcast_in_dim3A_238, %select_n3A_219 : vector<196x4x256xi1>, vector<196x4x256xf32>
    %reduce_max3A_240 = arith.constant dense<0xFF800000> : vector<196x256xf32>
    %reduce_max3A_241 = vector.multi_reduction <maximumf>, %select_n3A_239, %reduce_max3A_240 [1] : vector<196x4x256xf32> to vector<196x256xf32>
    %reduce_max3A_242 = arith.constant dense<0xFF800000> : vector<256xf32>
    %reduce_max3A_243 = vector.multi_reduction <maximumf>, %reduce_max3A_241, %reduce_max3A_242 [0] : vector<196x256xf32> to vector<256xf32>
    %broadcast_in_dim3A_244 = vector.shape_cast %reduce_max3A_243 : vector<256xf32> to vector<1x1x256xf32>
    %eq3A_245 = vector.broadcast %broadcast_in_dim3A_244 : vector<1x1x256xf32> to vector<196x4x256xf32>
    %eq3A_246 = arith.cmpf oeq, %select_n3A_239, %eq3A_245 : vector<196x4x256xf32>
    %jit3A_247 = arith.constant 1073741824 : i32
    %broadcast_in_dim3A_248 = vector.broadcast %jit3A_247 : i32 to vector<196x4x256xi32>
    %select_n3A_249 = arith.select %eq3A_246, %add3A, %broadcast_in_dim3A_248 : vector<196x4x256xi1>, vector<196x4x256xi32>
    %reduce_min3A_250 = arith.constant dense<2147483647> : vector<196x256xi32>
    %reduce_min3A_251 = vector.multi_reduction <minsi>, %select_n3A_249, %reduce_min3A_250 [1] : vector<196x4x256xi32> to vector<196x256xi32>
    %reduce_min3A_252 = arith.constant dense<2147483647> : vector<256xi32>
    %reduce_min3A_253 = vector.multi_reduction <minsi>, %reduce_min3A_251, %reduce_min3A_252 [0] : vector<196x256xi32> to vector<256xi32>
    %broadcast_in_dim3A_254 = vector.shape_cast %reduce_min3A_253 : vector<256xi32> to vector<1x1x256xi32>
    %eq3A_255 = vector.broadcast %broadcast_in_dim3A_254 : vector<1x1x256xi32> to vector<196x4x256xi32>
    %eq3A_256 = arith.cmpi eq, %add3A, %eq3A_255 : vector<196x4x256xi32>
    %jit3A_257 = arith.constant -3.000000e+38 : f32
    %broadcast_in_dim3A_258 = vector.broadcast %jit3A_257 : f32 to vector<196x4x256xf32>
    %select_n3A_259 = arith.select %eq3A_256, %broadcast_in_dim3A_258, %select_n3A_239 : vector<196x4x256xi1>, vector<196x4x256xf32>
    %reduce_max3A_260 = arith.constant dense<0xFF800000> : vector<196x256xf32>
    %reduce_max3A_261 = vector.multi_reduction <maximumf>, %select_n3A_259, %reduce_max3A_260 [1] : vector<196x4x256xf32> to vector<196x256xf32>
    %reduce_max3A_262 = arith.constant dense<0xFF800000> : vector<256xf32>
    %reduce_max3A_263 = vector.multi_reduction <maximumf>, %reduce_max3A_261, %reduce_max3A_262 [0] : vector<196x256xf32> to vector<256xf32>
    %broadcast_in_dim3A_264 = vector.shape_cast %reduce_max3A_263 : vector<256xf32> to vector<1x1x256xf32>
    %eq3A_265 = vector.broadcast %broadcast_in_dim3A_264 : vector<1x1x256xf32> to vector<196x4x256xf32>
    %eq3A_266 = arith.cmpf oeq, %select_n3A_259, %eq3A_265 : vector<196x4x256xf32>
    %jit3A_267 = arith.constant 1073741824 : i32
    %broadcast_in_dim3A_268 = vector.broadcast %jit3A_267 : i32 to vector<196x4x256xi32>
    %select_n3A_269 = arith.select %eq3A_266, %add3A, %broadcast_in_dim3A_268 : vector<196x4x256xi1>, vector<196x4x256xi32>
    %reduce_min3A_270 = arith.constant dense<2147483647> : vector<196x256xi32>
    %reduce_min3A_271 = vector.multi_reduction <minsi>, %select_n3A_269, %reduce_min3A_270 [1] : vector<196x4x256xi32> to vector<196x256xi32>
    %reduce_min3A_272 = arith.constant dense<2147483647> : vector<256xi32>
    %reduce_min3A_273 = vector.multi_reduction <minsi>, %reduce_min3A_271, %reduce_min3A_272 [0] : vector<196x256xi32> to vector<256xi32>
    %broadcast_in_dim3A_274 = vector.shape_cast %reduce_min3A_273 : vector<256xi32> to vector<1x1x256xi32>
    %eq3A_275 = vector.broadcast %broadcast_in_dim3A_274 : vector<1x1x256xi32> to vector<196x4x256xi32>
    %eq3A_276 = arith.cmpi eq, %add3A, %eq3A_275 : vector<196x4x256xi32>
    %jit3A_277 = arith.constant -3.000000e+38 : f32
    %broadcast_in_dim3A_278 = vector.broadcast %jit3A_277 : f32 to vector<196x4x256xf32>
    %select_n3A_279 = arith.select %eq3A_276, %broadcast_in_dim3A_278, %select_n3A_259 : vector<196x4x256xi1>, vector<196x4x256xf32>
    %reduce_max3A_280 = arith.constant dense<0xFF800000> : vector<196x256xf32>
    %reduce_max3A_281 = vector.multi_reduction <maximumf>, %select_n3A_279, %reduce_max3A_280 [1] : vector<196x4x256xf32> to vector<196x256xf32>
    %reduce_max3A_282 = arith.constant dense<0xFF800000> : vector<256xf32>
    %reduce_max3A_283 = vector.multi_reduction <maximumf>, %reduce_max3A_281, %reduce_max3A_282 [0] : vector<196x256xf32> to vector<256xf32>
    %broadcast_in_dim3A_284 = vector.shape_cast %reduce_max3A_283 : vector<256xf32> to vector<1x1x256xf32>
    %eq3A_285 = vector.broadcast %broadcast_in_dim3A_284 : vector<1x1x256xf32> to vector<196x4x256xf32>
    %eq3A_286 = arith.cmpf oeq, %select_n3A_279, %eq3A_285 : vector<196x4x256xf32>
    %jit3A_287 = arith.constant 1073741824 : i32
    %broadcast_in_dim3A_288 = vector.broadcast %jit3A_287 : i32 to vector<196x4x256xi32>
    %select_n3A_289 = arith.select %eq3A_286, %add3A, %broadcast_in_dim3A_288 : vector<196x4x256xi1>, vector<196x4x256xi32>
    %reduce_min3A_290 = arith.constant dense<2147483647> : vector<196x256xi32>
    %reduce_min3A_291 = vector.multi_reduction <minsi>, %select_n3A_289, %reduce_min3A_290 [1] : vector<196x4x256xi32> to vector<196x256xi32>
    %reduce_min3A_292 = arith.constant dense<2147483647> : vector<256xi32>
    %reduce_min3A_293 = vector.multi_reduction <minsi>, %reduce_min3A_291, %reduce_min3A_292 [0] : vector<196x256xi32> to vector<256xi32>
    %broadcast_in_dim3A_294 = vector.shape_cast %reduce_min3A_293 : vector<256xi32> to vector<1x1x256xi32>
    %eq3A_295 = vector.broadcast %broadcast_in_dim3A_294 : vector<1x1x256xi32> to vector<196x4x256xi32>
    %eq3A_296 = arith.cmpi eq, %add3A, %eq3A_295 : vector<196x4x256xi32>
    %jit3A_297 = arith.constant -3.000000e+38 : f32
    %broadcast_in_dim3A_298 = vector.broadcast %jit3A_297 : f32 to vector<196x4x256xf32>
    %select_n3A_299 = arith.select %eq3A_296, %broadcast_in_dim3A_298, %select_n3A_279 : vector<196x4x256xi1>, vector<196x4x256xf32>
    %reduce_max3A_300 = arith.constant dense<0xFF800000> : vector<196x256xf32>
    %reduce_max3A_301 = vector.multi_reduction <maximumf>, %select_n3A_299, %reduce_max3A_300 [1] : vector<196x4x256xf32> to vector<196x256xf32>
    %reduce_max3A_302 = arith.constant dense<0xFF800000> : vector<256xf32>
    %reduce_max3A_303 = vector.multi_reduction <maximumf>, %reduce_max3A_301, %reduce_max3A_302 [0] : vector<196x256xf32> to vector<256xf32>
    %broadcast_in_dim3A_304 = vector.shape_cast %reduce_max3A_303 : vector<256xf32> to vector<1x1x256xf32>
    %eq3A_305 = vector.broadcast %broadcast_in_dim3A_304 : vector<1x1x256xf32> to vector<196x4x256xf32>
    %eq3A_306 = arith.cmpf oeq, %select_n3A_299, %eq3A_305 : vector<196x4x256xf32>
    %jit3A_307 = arith.constant 1073741824 : i32
    %broadcast_in_dim3A_308 = vector.broadcast %jit3A_307 : i32 to vector<196x4x256xi32>
    %select_n3A_309 = arith.select %eq3A_306, %add3A, %broadcast_in_dim3A_308 : vector<196x4x256xi1>, vector<196x4x256xi32>
    %reduce_min3A_310 = arith.constant dense<2147483647> : vector<196x256xi32>
    %reduce_min3A_311 = vector.multi_reduction <minsi>, %select_n3A_309, %reduce_min3A_310 [1] : vector<196x4x256xi32> to vector<196x256xi32>
    %reduce_min3A_312 = arith.constant dense<2147483647> : vector<256xi32>
    %reduce_min3A_313 = vector.multi_reduction <minsi>, %reduce_min3A_311, %reduce_min3A_312 [0] : vector<196x256xi32> to vector<256xi32>
    %stack3A = vector.shape_cast %reduce_max3A_8 : vector<256xf32> to vector<1x256xf32>
    %stack3A_314 = vector.shape_cast %reduce_max3A_23 : vector<256xf32> to vector<1x256xf32>
    %stack3A_315 = vector.shape_cast %reduce_max3A_43 : vector<256xf32> to vector<1x256xf32>
    %stack3A_316 = vector.shape_cast %reduce_max3A_63 : vector<256xf32> to vector<1x256xf32>
    %stack3A_317 = vector.shape_cast %reduce_max3A_83 : vector<256xf32> to vector<1x256xf32>
    %stack3A_318 = vector.shape_cast %reduce_max3A_103 : vector<256xf32> to vector<1x256xf32>
    %stack3A_319 = vector.shape_cast %reduce_max3A_123 : vector<256xf32> to vector<1x256xf32>
    %stack3A_320 = vector.shape_cast %reduce_max3A_143 : vector<256xf32> to vector<1x256xf32>
    %stack3A_321 = vector.shape_cast %reduce_max3A_163 : vector<256xf32> to vector<1x256xf32>
    %stack3A_322 = vector.shape_cast %reduce_max3A_183 : vector<256xf32> to vector<1x256xf32>
    %stack3A_323 = vector.shape_cast %reduce_max3A_203 : vector<256xf32> to vector<1x256xf32>
    %stack3A_324 = vector.shape_cast %reduce_max3A_223 : vector<256xf32> to vector<1x256xf32>
    %stack3A_325 = vector.shape_cast %reduce_max3A_243 : vector<256xf32> to vector<1x256xf32>
    %stack3A_326 = vector.shape_cast %reduce_max3A_263 : vector<256xf32> to vector<1x256xf32>
    %stack3A_327 = vector.shape_cast %reduce_max3A_283 : vector<256xf32> to vector<1x256xf32>
    %stack3A_328 = vector.shape_cast %reduce_max3A_303 : vector<256xf32> to vector<1x256xf32>
    %stack3A_329 = tpu.concatenate %stack3A, %stack3A_314, %stack3A_315, %stack3A_316, %stack3A_317, %stack3A_318, %stack3A_319, %stack3A_320, %stack3A_321, %stack3A_322, %stack3A_323, %stack3A_324, %stack3A_325, %stack3A_326, %stack3A_327, %stack3A_328 in 0 : vector<1x256xf32>, vector<1x256xf32>, vector<1x256xf32>, vector<1x256xf32>, vector<1x256xf32>, vector<1x256xf32>, vector<1x256xf32>, vector<1x256xf32>, vector<1x256xf32>, vector<1x256xf32>, vector<1x256xf32>, vector<1x256xf32>, vector<1x256xf32>, vector<1x256xf32>, vector<1x256xf32>, vector<1x256xf32> -> vector<16x256xf32>
    %swap3A = arith.constant 0 : index
    %swap3A_330 = arith.constant 0 : index
    %swap3A_331 = vector.load %arg2[%swap3A, %swap3A_330] : memref<16x256xf32, #tpu.memory_space<vmem>>, vector<16x256xf32>
    tpu.vector_store %arg2[%swap3A, %swap3A_330], %stack3A_329 {strides = array<i32>} : memref<16x256xf32, #tpu.memory_space<vmem>>, vector<16x256xf32>,
    %stack3A_332 = vector.shape_cast %reduce_min3A_13 : vector<256xi32> to vector<1x256xi32>
    %stack3A_333 = vector.shape_cast %reduce_min3A_33 : vector<256xi32> to vector<1x256xi32>
    %stack3A_334 = vector.shape_cast %reduce_min3A_53 : vector<256xi32> to vector<1x256xi32>
    %stack3A_335 = vector.shape_cast %reduce_min3A_73 : vector<256xi32> to vector<1x256xi32>
    %stack3A_336 = vector.shape_cast %reduce_min3A_93 : vector<256xi32> to vector<1x256xi32>
    %stack3A_337 = vector.shape_cast %reduce_min3A_113 : vector<256xi32> to vector<1x256xi32>
    %stack3A_338 = vector.shape_cast %reduce_min3A_133 : vector<256xi32> to vector<1x256xi32>
    %stack3A_339 = vector.shape_cast %reduce_min3A_153 : vector<256xi32> to vector<1x256xi32>
    %stack3A_340 = vector.shape_cast %reduce_min3A_173 : vector<256xi32> to vector<1x256xi32>
    %stack3A_341 = vector.shape_cast %reduce_min3A_193 : vector<256xi32> to vector<1x256xi32>
    %stack3A_342 = vector.shape_cast %reduce_min3A_213 : vector<256xi32> to vector<1x256xi32>
    %stack3A_343 = vector.shape_cast %reduce_min3A_233 : vector<256xi32> to vector<1x256xi32>
    %stack3A_344 = vector.shape_cast %reduce_min3A_253 : vector<256xi32> to vector<1x256xi32>
    %stack3A_345 = vector.shape_cast %reduce_min3A_273 : vector<256xi32> to vector<1x256xi32>
    %stack3A_346 = vector.shape_cast %reduce_min3A_293 : vector<256xi32> to vector<1x256xi32>
    %stack3A_347 = vector.shape_cast %reduce_min3A_313 : vector<256xi32> to vector<1x256xi32>
    %stack3A_348 = tpu.concatenate %stack3A_332, %stack3A_333, %stack3A_334, %stack3A_335, %stack3A_336, %stack3A_337, %stack3A_338, %stack3A_339, %stack3A_340, %stack3A_341, %stack3A_342, %stack3A_343, %stack3A_344, %stack3A_345, %stack3A_346, %stack3A_347 in 0 : vector<1x256xi32>, vector<1x256xi32>, vector<1x256xi32>, vector<1x256xi32>, vector<1x256xi32>, vector<1x256xi32>, vector<1x256xi32>, vector<1x256xi32>, vector<1x256xi32>, vector<1x256xi32>, vector<1x256xi32>, vector<1x256xi32>, vector<1x256xi32>, vector<1x256xi32>, vector<1x256xi32>, vector<1x256xi32> -> vector<16x256xi32>
    %swap3A_349 = arith.constant 0 : index
    %swap3A_350 = arith.constant 0 : index
    %swap3A_351 = vector.load %arg3[%swap3A_349, %swap3A_350] : memref<16x256xi32, #tpu.memory_space<vmem>>, vector<16x256xi32>
    tpu.vector_store %arg3[%swap3A_349, %swap3A_350], %stack3A_348 {strides = array<i32>} : memref<16x256xi32, #tpu.memory_space<vmem>>, vector<16x256xi32>,
    return
  }
  func.func @transform_0(%arg0: i32) -> (i32, i32, i32) {
    %c0_i32 = arith.constant 0 : i32
    %c0_i32_0 = arith.constant 0 : i32
    %c0_i32_1 = arith.constant 0 : i32
    return %c0_i32, %c0_i32_0, %arg0 : i32, i32, i32
  }
  func.func @transform_1(%arg0: i32) -> (i32, i32) {
    %c0_i32 = arith.constant 0 : i32
    %c0_i32_0 = arith.constant 0 : i32
    return %c0_i32, %arg0 : i32, i32
  }
  func.func @transform_2(%arg0: i32) -> (i32, i32) {
    %c0_i32 = arith.constant 0 : i32
    %c0_i32_0 = arith.constant 0 : i32
    return %c0_i32, %arg0 : i32, i32
  }
}

</mosaic_0001>

<sc_bundles>
// kernel: kernel.5.cloned.1.call-start
scs
__scs_entry_jumppad:
0x0: {  	(pc) =	sbr.rel $0x88, $3  }
0x1: {  	(tag) =	ssettag $0x0;
	lr =	simm.s32 $0x1  }
0x2: {  	[smem:$0x3F9E] =	sst lr;
	_ =	strace $0xD0000000  }
0x3: {  	_ = 	snop  }
0x4: {  	_ = 	snop  }
0x5: {  	_ = 	snop  }
0x6: {  	_ = 	snop  }
0x7: {  	_ = 	snop  }
__scs_overlays_trampoline_lowered:
0x8: {  	[smem:$0x3FAD] =	sst s0  }
0x9: {  	[smem:$0x3FAE] =	sst s1  }
0xa: {  	[smem:$0x3FAF] =	sst s2  }
0xb: {  	[smem:$0x3FB0] =	sst s3  }
0xc: {  	[smem:$0x3FB1] =	sst s4  }
0xd: {  	[smem:$0x3FB2] =	sst s5  }
0xe: {  	[smem:$0x3FB3] =	sst s6  }
0xf: {  	[smem:$0x3FB4] =	sst s7  }
0x10: {  	[smem:$0x3FB5] =	sst s8  }
0x11: {  	[smem:$0x3FB6] =	sst s9;
	s0 =	simm.s32 @!p0 $0x0  }
0x12: {  	s1 =	sld [smem:$0x3F9C];
	s0 =	simm.s32 @p0 $0x1  }
0x13: {  	[smem:$0x3FB7] =	sst s0;
	s0 =	simm.s32 @!p1 $0x0  }
0x14: {  	s2 =	sld [smem:$0x3F9B];
	s0 =	simm.s32 @p1 $0x1  }
0x15: {  	[smem:$0x3FB8] =	sst s0;
	s0 =	simm.s32 @!p2 $0x0  }
0x16: {  	s3 =	sld [smem:$0x3FDB];
	s0 =	simm.s32 @p2 $0x1  }
0x17: {  	s4 =	simm.s32 $0x1BF5;
	[smem:$0x3FBA] =	sst s0  }
0x18: {  	s0 =	sld [smem:$0x3F9D];
	_ =	swait.ge [sflag:s4], $0x0  }
0x19: {  	s7 =	sld [smem:$0x3F9E]  }
0x1a: {  	s8 =	sadd.s32 $0xFFFFE003, lr  }
0x1b: {  	s9 =	sadd.s32 $0xFFFFFEF7, lr;
	s5 =	simm.s32 $0xFFFFFFFF;
	p2 =	slt.u32 s8, $0xFFFFF086  }
0x1c: {  	p1 =	slt.u32 s9, $0xF7A;
	s5 =	simm.s32 @!p2 $0x0  }
0x1d: {  	s5 =	simm.s32 @p1 $0x1;
	p0 =	seq.s32 s7, s2  }
0x1e: {  	s7 =	smul.u32 @!p0 $0xF7A, s2;
	p2 =	seq.s32 @!p0 s5, $0x0  }
0x1f: {  	s9 =	smul.u32 $0xF7A, s1;
	s8 =	simm.s32 @!p0 $0x1BF5;
	p2 =	por !p2, p0  }
0x20: {  	[sflag:s8] =	ssyncset.s32 @!p0 $0xFFFFF086;
	s6 =	sadd.s32 @!p0 s3, s7;
	s7 =	simm.s32 @!p0 $0x108  }
0x21: {  	s3 =	sadd.s32 s3, s9;
	s6 =	sadd.s32 @!p0 $0x88, s6;
	s7 =	simm.s32 @p2 $0x1082  }
0x22: {  	[simem:s7], [sflag:s8] =	dma.local @!p0 [hbm:s6], $0xF7A  }
0x23: {  	s9 =	sor.u32 $0xD0000000, s2;
	s6 =	simm.s32 $0x108;
	_ =	swait.ge @!p0 [sflag:s8], $0x0  }
0x24: {  	s3 =	sadd.s32 $0x88, s3;
	s6 =	simm.s32 @!p1 $0x1082;
	[sflag:s4] =	ssyncset.s32 $0xFFFFF086  }
0x25: {  	[simem:s6], [sflag:s4] =	dma.local [hbm:s3], $0xF7A  }
0x26: {  	[smem:$0x3F9E] =	sst s1;
	(tag) =	ssettag s2;
	_ =	strace s9  }
0x27: {  	s1 =	sld [smem:$0x3FAE]  }
0x28: {  	s2 =	sld [smem:$0x3FAF]  }
0x29: {  	s4 =	sld [smem:$0x3FB1]  }
0x2a: {  	p0 =	seq.s32 s5, $0x0;
	s5 =	sld [smem:$0x3FB2]  }
0x2b: {  	s6 =	sld [smem:$0x3FB3]  }
0x2c: {  	s7 =	sld [smem:$0x3FB4]  }
0x2d: {  	s3 =	simm.s32 $0x108;
	s8 =	sld [smem:$0x3FB5]  }
0x2e: {  	s3 =	simm.s32 @!p0 $0x1082;
	s9 =	sld [smem:$0x3FB6]  }
0x2f: {  	lr =	sadd.s32 s0, s3;
	s0 =	sld [smem:$0x3FAD]  }
0x30: {  	s3 =	sld [smem:$0x3FB0]  }
0x31: {  	[smem:$0x3FB9] =	sst s10  }
0x32: {  	s10 =	sld [smem:$0x3FB7];
	_ =	sdelay $0x3  }
0x33: {  	p0 =	seq.s32 s10, $0x1;
	s10 =	sld [smem:$0x3FB9];
	_ =	sdelay $0x3  }
0x34: {  	[smem:$0x3FB9] =	sst s10  }
0x35: {  	s10 =	sld [smem:$0x3FB8];
	_ =	sdelay $0x3  }
0x36: {  	p1 =	seq.s32 s10, $0x1;
	s10 =	sld [smem:$0x3FB9];
	_ =	sdelay $0x3  }
0x37: {  	[smem:$0x3FB9] =	sst s10  }
0x38: {  	s10 =	sld [smem:$0x3FBA]  }
0x39: {  	_ = 	snop;
	(pc) =	sbr.ind lr, $3  }
0x3a: {  	_ = 	snop  }
0x3b: {  	_ = 	snop  }
0x3c: {  	p2 =	seq.s32 s10, $0x1;
	s10 =	sld [smem:$0x3FB9]  }
0x3d: {  	_ =	shalt  }
0x3e: {  	_ =	shalt  }
0x3f: {  	_ =	shalt  }
0x40: {  	_ =	shalt  }
0x41: {  	_ =	shalt  }
0x42: {  	_ =	shalt  }
0x43: {  	_ =	shalt  }
0x44: {  	_ =	shalt  }
0x45: {  	_ =	shalt  }
0x46: {  	_ =	shalt  }
0x47: {  	_ =	shalt  }
0x48: {  	_ =	shalt  }
0x49: {  	_ =	shalt  }
0x4a: {  	_ =	shalt  }
0x4b: {  	_ =	shalt  }
0x4c: {  	_ =	shalt  }
0x4d: {  	_ =	shalt  }
0x4e: {  	_ =	shalt  }
0x4f: {  	_ =	shalt  }
0x50: {  	_ =	shalt  }
0x51: {  	_ =	shalt  }
0x52: {  	_ =	shalt  }
0x53: {  	_ =	shalt  }
0x54: {  	_ =	shalt  }
0x55: {  	_ =	shalt  }
0x56: {  	_ =	shalt  }
0x57: {  	_ =	shalt  }
0x58: {  	_ =	shalt  }
0x59: {  	_ =	shalt  }
0x5a: {  	_ =	shalt  }
0x5b: {  	_ =	shalt  }
0x5c: {  	_ =	shalt  }
0x5d: {  	_ =	shalt  }
0x5e: {  	_ =	shalt  }
0x5f: {  	_ =	shalt  }
0x60: {  	_ =	shalt  }
0x61: {  	_ =	shalt  }
0x62: {  	_ =	shalt  }
0x63: {  	_ =	shalt  }
0x64: {  	_ =	shalt  }
0x65: {  	_ =	shalt  }
0x66: {  	_ =	shalt  }
0x67: {  	_ =	shalt  }
0x68: {  	_ =	shalt  }
0x69: {  	_ =	shalt  }
0x6a: {  	_ =	shalt  }
0x6b: {  	_ =	shalt  }
0x6c: {  	_ =	shalt  }
0x6d: {  	_ =	shalt  }
0x6e: {  	_ =	shalt  }
0x6f: {  	_ =	shalt  }
0x70: {  	_ =	shalt  }
0x71: {  	_ =	shalt  }
0x72: {  	_ =	shalt  }
0x73: {  	_ =	shalt  }
0x74: {  	_ =	shalt  }
0x75: {  	_ =	shalt  }
0x76: {  	_ =	shalt  }
0x77: {  	_ =	shalt  }
0x78: {  	_ =	shalt  }
0x79: {  	_ =	shalt  }
0x7a: {  	_ =	shalt  }
0x7b: {  	_ =	shalt  }
0x7c: {  	_ =	shalt  }
0x7d: {  	_ =	shalt  }
0x7e: {  	_ =	shalt  }
0x7f: {  	_ =	shalt  }
0x80: {  	_ =	shalt  }
0x81: {  	_ =	shalt  }
0x82: {  	_ =	shalt  }
0x83: {  	_ =	shalt  }
0x84: {  	_ =	shalt  }
0x85: {  	_ =	shalt  }
0x86: {  	_ =	shalt  }
0x87: {  	_ =	shalt  }
.Lfunc_end0:
.L_simem_size_0:
called_computation_lowered:
.L_overlay_start_0:
0x88: {  	s2 =	sld [smem:$0x3FD9]  }
0x89: {  	s3 =	sld [smem:$0x3FFE];
	_ =	sdelay $0x1  }
0x8a: {  	s1 =	srdreg.scid  }
0x8b: {  	s0 =	sand.u32 $0x1, s1  }
0x8c: {  	s14 =	sshll.u32 s0, $0xA;
	s2 =	sadd.s32 s3, s2  }
0x8d: {  	s2 =	sadd.s32 s2, s14  }
0x8e: {  	[smem:$0x3FC5] =	sst s2  }
0x8f: {  	_ = 	snop  }
0x90: {  	s2 =	sld [smem:$0x3FD0];
	_ =	sdelay $0x2  }
0x91: {  	s4 =	simm.s32 $0xA;
	s5 =	simm.s32 $0x10;
	s15 =	sld [smem:$0x3FC7]  }
0x92: {  	[smem:s5], [sflag:s4] =	dma.local [hbm:s2], $0x1  }
0x93: {  	_ =	swait.eq [sflag:s4], $0x1  }
0x94: {  	[sflag:s4] =	ssyncset.done $0x0  }
0x95: {  	[sflag:s4] =	ssyncadd.s32 $0xFFFFFFFF  }
0x96: {  	s16 =	sld [smem:$0x10];
	(tm) =	ssettm $0x1  }
0x97: {  	s17 =	sld [smem:$0x3FFB];
	_ =	sdelay $0x3  }
0x98: {  	_ =	strace s17  }
0x99: {  	s4 =	sld [smem:$0x3FFC];
	_ =	sdelay $0x3  }
0x9a: {  	_ =	strace s4  }
0x9b: {  	s4 =	sld [smem:$0x3FFD];
	_ =	sdelay $0x3  }
0x9c: {  	_ =	strace s4  }
0x9d: {  	_ =	strace $0x8FFFFFFF  }
0x9e: {  	s18 =	sld [smem:$0x3FDB];
	_ =	sdelay $0x1  }
0x9f: {  	s19 =	simm.s32 $_scs_section_size  }
0xa0: {  	s6 =	simm.s32 $_size__tile_overlayer_lowered;
	s7 =	simm.s32 $_tile_overlayer_lowered  }
0xa1: {  	s22 =	simm.s32 $0x1BFF;
	s21 =	sshll.u32 s7, $0x1;
	s4 =	sadd.s32 s19, s18  }
0xa2: {  	s8 =	simm.s32 $0x0;
	s20 =	sshll.u32 s6, $0x1;
	s6 =	sadd.s32 s21, s4  }
0xa3: {  	[timem:s8], [sflag:s22] =	dma.local [hbm:s6], s20  }
0xa4: {  	_ =	swait.ge [sflag:s22], s20  }
0xa5: {  	s5 =	ssub.s32 $0x0, s20;
	[sflag:s22] =	ssyncset.done $0x0  }
0xa6: {  	[sflag:s22] =	ssyncadd.s32 s5;
	_ =	sdelay $0x1  }
0xa7: {  	s23 =	simm.s32 $0x1B8B  }
0xa8: {  	_ =	swait.ge [sflag:s23], $0x1  }
0xa9: {  	[sflag:s23] =	ssyncset.done $0x0  }
0xaa: {  	s25 =	simm.s32 $0x1B8E;
	s24 =	sld [smem:$0x3FFE];
	[sflag:s23] =	ssyncadd.s32 $0xFFFFFFFF  }
0xab: {  	s26 =	simm.s32 $execute0_lowered;
	[smem:$0x3FD2] =	sst s25  }
0xac: {  	s6 =	sshll.u32 s26, $0x1;
	_ =	strace $0x80000046;
	[dreg:$0x1] =	wrdreg $0xFFFFFFFF  }
0xad: {  	s28 =	simm.s32 $_size_execute0_lowered;
	s4 =	sadd.s32 s4, s6;
	[dreg:$0x0] =	wrdreg $0x0  }
0xae: {  	s6 =	sshll.u32 s28, $0x1;
	[dreg:$0x2] =	wrdreg s4  }
0xaf: {  	[dreg:$0x3] =	wrdreg s6  }
0xb0: {  	[dreg:$0x4] =	wrdreg $0xC0  }
0xb1: {  	_ =	task [dreg:s8], $0x5FFFF  }
0xb2: {  	[dreg:$0x1] =	wrdreg $0xFFFFFFFF  }
0xb3: {  	[dreg:$0x0] =	wrdreg $0x60  }
0xb4: {  	[dreg:$0x2] =	wrdreg s24  }
0xb5: {  	[dreg:$0x3] =	wrdreg s15  }
0xb6: {  	[dreg:$0x4] =	wrdreg s16  }
0xb7: {  	[dreg:$0x5] =	wrdreg $0x9  }
0xb8: {  	_ =	task.clear_ibuf [dreg:s8], $0x6FFFF;
	_ =	strace $0x90000046  }
0xb9: {  	s29 =	simm.s32 $0x9;
	_ =	strace $0x80000048  }
0xba: {  	_ =	swait.ge [sflag:s29], $0x1  }
0xbb: {  	[sflag:s29] =	ssyncadd.s32 $0xFFFFFFFF  }
0xbc: {  	_ =	strace $0x90000048  }
0xbd: {  	_ =	sfence  }
0xbe: {  	s30 =	sld [smem:$0x0];
	_ =	sdelay $0x2  }
0xbf: {  	s31 =	sshll.u32 s1, $0xD;
	s1 =	sshrl.u32 s1, $0x2  }
0xc0: {  	s3 =	sand.u32 $0x4000, s31;
	s1 =	sadd.s32 s1, s30  }
0xc1: {  	s0 =	sor.u32 s3, s0;
	s1 =	sshll.u32 s1, $0x11  }
0xc2: {  	s0 =	sor.u32 s1, s0  }
0xc3: {  	s0 =	sadd.s32 $0x8F2B, s0  }
0xc4: {  	[sflag:s0] =	ssyncadd.remote.s32 $0x1  }
0xc5: {  	_ =	sfence.sel $0xFFFF  }
0xc6: {  	[dreg:$0x0] =	wrdreg $0xFFFFFFFF;
	(pc) =	sbr.abs _section_cstart, $3  }
0xc7: {  	[dreg:$0x1] =	wrdreg $0xFFFFFFFF  }
0xc8: {  	_ =	task.clear_ibuf [dreg:s8], $0x2FFFF;
	_ =	strace $0x9FFFFFFF  }
0xc9: {  	(tm) =	ssettm $0x7FFFFFFF  }
tec
execute0_lowered:
.L_overlay_start_1:
0x0: {  	(tag) =	ssettag $0x1  }
0x1: {  	s0 =	rddreg [dreg:$0x0]  }
0x2: {  	s1 =	rddreg [dreg:$0x1]  }
0x3: {  	s2 =	rddreg [dreg:$0x2];
	s4 =	srdreg.scid;
	s3 =	simm.s32 $0x0  }
0x4: {  	s5 =	stileid.u32;
	s13 =	simm.s32 $0x2;
	s14 =	simm.s32 $0x1  }
0x5: {  	s15 =	simm.s32 $0x2800;
	s16 =	simm.s32 $0x3000;
	s17 =	simm.s32 $0x3800  }
0x6: {  	s18 =	simm.s32 $0x4000;
	s19 =	simm.s32 $0x4800;
	s20 =	simm.s32 $0x5000  }
0x7: {  	v0 =	vlaneseq.u32;
	s22 =	simm.s32 $0x11800;
	s23 =	simm.s32 $0x5800;
	s24 =	simm.s32 $0x0  }
0x8: {  	vm0 =	vmmov $0xffff;
	v2 =	vimm.s32 $0x7;
	v4 =	vimm.s32 $0x3;
	s6 =	sand.u32 $0x1, s4;
	[smem:$0x7FF] =	sst s3;
	s29 =	sshll.u32 s5, $0x7  }
0x9: {  	v6 =	vimm.s32 $0x0;
	v7 =	vimm.s32 $0x1;
	v8 =	vimm.s32 $0x2;
	s5 =	sadd.s32 $0x1888E00, s0;
	s30 =	sshll.u32 s6, $0x6;
	s6 =	ssub.s32 $0x2, s6  }
0xa: {  	v9 =	vimm.s32 $0x4;
	v10 =	vimm.s32 $0x5;
	v11 =	vimm.s32 $0x6;
	_ =	strace $0x80000047;
	s4 =	sor.u32 s30, s29;
	s31 =	sshrl.u32 s6, $0x1  }
0xb: {  	v12 =	vimm.s32 $0x8;
	v13 =	vimm.s32 $0x9;
	v14 =	vimm.s32 $0xA;
	s7 =	sshll.u32 s4, $0x4;
	s8 =	sshrl.u32 s4, $0x3;
	s12 =	ssub.s32 s6, s31  }
0xc: {  	v15 =	vimm.s32 $0xB;
	v16 =	vimm.s32 $0xC;
	v17 =	vimm.s32 $0xD;
	s0 =	sadd.s32 s7, s0;
	s11 =	smul.u32 $0x300, s8;
	s7 =	sadd.s32 $0x100, s1  }
0xd: {  	v18 =	vimm.s32 $0xE;
	v19 =	vimm.s32 $0xF;
	v3 =	vshrl.u32 v0, $0x3;
	s8 =	sadd.s32 $0x200, s1;
	s12 =	smax.u32 s12, $0x1;
	s6 =	sadd.s32 $0x1880E00, s0  }
0xe: {  	v1 =	vand.u32 $0x7, v0;
	v5 =	vor.u32 $0x8, v0;
	v3 =	vmul.u32 $0x8, v3;
	s9 =	sadd.s32 $0x8E00, s0;
	s10 =	sadd.s32 $0xE00, s0;
	s11 =	sadd.s32 s2, s11  }
.LBB2_1:
0xf: {  	[tilespmem:s3], [sflag:$0x2] =	stream.linear.gather [hbm4b:s6+s3], $0x2000, $0x38;
	[tilespmem:$0x15800] =	vst v63  }
0x10: {  	_ =	swait.ge [sflag:s13], $0x2000  }
0x11: {  	[sflag:s13] =	ssyncset.done $0x0  }
0x12: {  	s25 =	simm.s32 $0x0;
	[sflag:s13] =	ssyncadd.s32 $0xFFFFE000  }
.LBB2_2:
0x13: {  	s26 =	sshll.u32 s25, $0x7  }
0x14: {  	v20 =	vld [tilespmem:s26+$0x0];
	_ =	sdelay $0x1  }
0x15: {  	s0 =	sadd.s32 s4, s25  }
0x16: {  	s0 =	smul.u32 $0x310, s0;
	_ =	sdelay $0x1  }
0x17: {  	v21 =	vadd.s32 s0, v20;
	_ =	sdelay $0x3  }
0x18: {  	s2 =	simm.s32 $0x2000;
	s0 =	simm.s32 $0x0  }
0x19: {  	[tilespmem:s2], [sflag:$0x1] =	stream.indirect_vreg.gather [hbm4b:s5+s0], $0x80, v21, vm0, $0xb8;
	[tilespmem:$0x15800] =	vst v63  }
0x1a: {  	_ =	swait.ge [sflag:s14], $0x800  }
0x1b: {  	[sflag:s14] =	ssyncset.done $0x0  }
0x1c: {  	v22 =	vimm.f32 $-3.000000010e+38;
	s28 =	simm.s32 $0x0;
	v20 =	vshll.u32 v20, $0x7;
	v21 =	vimm.s32 $0x0;
	[sflag:s14] =	ssyncadd.s32 $0xFFFFF800  }
.LBB2_3:
0x1d: {  	v23 =	vmov s28;
	v24 =	vld [tilespmem:s2+$0x0]  }
0x1e: {  	v23 =	vperm.xlane v20, v23;
	_ =	sdelay $0x1  }
0x1f: {  	v23 =	vadd.s32 v0, v23  }
0x20: {  	v25 =	vadd.s32 s0, v23  }
0x21: {  	(xrf1) =	vsort.ascd.msk.f32 $0xffff, v24, v25;
	_ =	sdelay $0xb  }
0x22: {  	s30 =	sadd.s32 $0x10, s2  }
0x23: {  	v26 =	vld [tilespmem:s30+$0x0]  }
0x24: {  	s29 =	simm.s32 $0x10;
	s31 =	simm.s32 $0x20;
	v25, v24, _ =	vpop (xrf1)  }
.LBB2_4:
0x25: {  	p0 =	sne.s32 s31, $0x70;
	vm1 =	veq.f32 v22, v25;
	vm2 =	vlt.s32 v21, v24  }
0x26: {  	vm3 =	vgt.f32 v22, v25;
	vm1 =	vmand vm1, vm2  }
0x27: {  	v27 =	vadd.s32 s29, v23;
	s29 =	smov.u32 s31;
	vm1 =	vmor vm3, vm1  }
0x28: {  	(xrf1) =	vsort.ascd.msk.f32 $0xffff, v26, v27;
	v22 =	vsel vm1, v22, v25;
	v21 =	vsel vm1, v21, v24  }
0x29: {  	(xrf1) =	vsort.dscd.msk.f32 $0xffff, v22, v21;
	_ =	sdelay $0x9  }
.Ltmp0:
0x2a: {  	(pc) =	sbr.rel @p0 .LBB2_4-.Ltmp0, $4  }
0x2b: {  	_ = 	snop  }
0x2c: {  	s30 =	sadd.s32 $0x10, s30  }
0x2d: {  	v26 =	vld [tilespmem:s30+$0x0];
	v25, v24, _ =	vpop (xrf1)  }
0x2e: {  	s31 =	sadd.s32 $0x10, s31;
	v22, v21, _ =	vpop (xrf1)  }
0x2f: {  	vm1 =	veq.f32 v22, v25;
	vm2 =	vlt.s32 v21, v24  }
0x30: {  	vm3 =	vgt.f32 v22, v25;
	vm1 =	vmand vm1, vm2  }
0x31: {  	v23 =	vadd.s32 s29, v23;
	vm1 =	vmor vm3, vm1  }
0x32: {  	(xrf1) =	vsort.ascd.msk.f32 $0xffff, v26, v23;
	v22 =	vsel vm1, v22, v25;
	v21 =	vsel vm1, v21, v24  }
0x33: {  	(xrf1) =	vsort.dscd.msk.f32 $0xffff, v22, v21;
	_ =	sdelay $0xc  }
0x34: {  	v21, v22, _ =	vpop (xrf1)  }
0x35: {  	v23, v63, _ =	vpop (xrf1)  }
0x36: {  	vm1 =	veq.f32 v23, v21;
	vm2 =	vlt.s32 v63, v22  }
0x37: {  	vm3 =	vgt.f32 v23, v21;
	vm1 =	vmand vm1, vm2  }
0x38: {  	vm1 =	vmor vm3, vm1  }
0x39: {  	v21 =	vsel vm1, v23, v21;
	v22 =	vsel vm1, v63, v22  }
0x3a: {  	(xrf1) =	vsort.dscd.msk.f32 $0xffff, v21, v22;
	_ =	sdelay $0x7  }
0x3b: {  	s28 =	sadd.s32 $0x1, s28  }
0x3c: {  	p0 =	sne.s32 s28, $0x10  }
.Ltmp1:
0x3d: {  	_ = 	snop;
	(pc) =	sbr.rel @p0 .LBB2_3-.Ltmp1, $2  }
0x3e: {  	_ =	sdelay $0x2  }
0x3f: {  	s2 =	sadd.s32 $0x80, s2;
	v22, v21, _ =	vpop (xrf1)  }
0x40: {  	v20 =	vsub.f32 $0.0e+00, v22;
	_ =	sdelay $0x1  }
0x41: {  	v20 =	vmul.f32 $1.442695020e+00, v20;
	_ =	sdelay $0x1  }
0x42: {  	(erf) = vpow2.f32 v20;
	_ =	sdelay $0x4  }
0x43: {  	v20 =	vshrl.u32 v21, $0x3  }
0x44: {  	v20 =	vmul.u32 $0x30, v20  }
0x45: {  	v23 =	vand.u32 $0x7, v21  }
0x46: {  	v20 =	vor.u32 v23, v20  }
0x47: {  	v23 =	vperm.xlane v20, v1;
	v24 =	vpop (erf)  }
0x48: {  	[tilespmem:s26+$0x13800] =	vst v22;
	v22 =	vadd.f32 $1.000000000e+00, v24  }
0x49: {  	v23 =	vadd.s32 v3, v23  }
0x4a: {  	(erf) = vrcp.f32 v22;
	_ =	sdelay $0x2  }
0x4b: {  	[tilespmem:s26+$0x11800] =	vst v21;
	s29 =	simm.s32 $0x0;
	v20 =	vperm.xlane v20, v5  }
0x4c: {  	[tilespmem:s15], [sflag:$0x1] =	stream.indirect_vreg.gather [hbm4b:s1+s29], $0x80, v23, vm0, $0xb8;
	[tilespmem:$0x15800] =	vst v63  }
0x4d: {  	v20 =	vadd.s32 v3, v20  }
0x4e: {  	[tilespmem:s16], [sflag:$0x1] =	stream.indirect_vreg.gather [hbm4b:s7+s29], $0x80, v23, vm0, $0xb8;
	[tilespmem:$0x15800] =	vst v63  }
0x4f: {  	_ = 	snop  }
0x50: {  	[tilespmem:s17], [sflag:$0x1] =	stream.indirect_vreg.gather [hbm4b:s8+s29], $0x80, v23, vm0, $0xb8;
	[tilespmem:$0x15800] =	vst v63  }
0x51: {  	v21 =	vpop (erf)  }
0x52: {  	[tilespmem:s18], [sflag:$0x1] =	stream.indirect_vreg.gather [hbm4b:s1+s29], $0x80, v20, vm0, $0xb8;
	v34 =	vperm.xlane v21, v6;
	v35 =	vperm.xlane v21, v7;
	[tilespmem:$0x15800] =	vst v63  }
0x53: {  	s0 =	sshrl.u32 s25, $0x3;
	s2 =	sand.u32 $0x380, s26;
	v33 =	vperm.xlane v21, v8;
	v32 =	vperm.xlane v21, v4  }
0x54: {  	[tilespmem:s19], [sflag:$0x1] =	stream.indirect_vreg.gather [hbm4b:s7+s29], $0x80, v20, vm0, $0xb8;
	v31 =	vperm.xlane v21, v9;
	v29 =	vperm.xlane v21, v10;
	[tilespmem:$0x15800] =	vst v63  }
0x55: {  	s0 =	smul.u32 $0x6000, s0;
	s28 =	sand.u32 $0x70, s29;
	s30 =	sand.u32 $0x1C00, s29;
	v30 =	vperm.xlane v21, v11;
	v28 =	vperm.xlane v21, v2  }
0x56: {  	[tilespmem:s20], [sflag:$0x1] =	stream.indirect_vreg.gather [hbm4b:s8+s29], $0x80, v20, vm0, $0xb8;
	v27 =	vperm.xlane v21, v12;
	v25 =	vperm.xlane v21, v13;
	[tilespmem:$0x15800] =	vst v63  }
0x57: {  	s31 =	sor.u32 s28, s30;
	s0 =	sshra.s32 s0, $0x2;
	_ =	swait.ge [sflag:s14], $0x3000;
	v26 =	vperm.xlane v21, v14;
	v24 =	vperm.xlane v21, v15  }
0x58: {  	s0 =	sor.u32 s2, s0;
	s2 =	simm.s32 $0x10;
	v22 =	vperm.xlane v21, v16;
	v20 =	vperm.xlane v21, v17;
	[sflag:s14] =	ssyncset.done $0x0  }
0x59: {  	s26 =	sadd.s32 $0x5800, s0;
	s0 =	simm.s32 $0x0;
	v23 =	vperm.xlane v21, v18;
	v21 =	vperm.xlane v21, v19;
	[sflag:s14] =	ssyncadd.s32 $0xFFFFD000  }
.LBB2_7:
0x5a: {  	p0 =	sne.s32 s2, $0x2F0;
	v36 =	vld [tilespmem:s31+$0x2800]  }
0x5b: {  	v37 =	vld [tilespmem:s31+$0x2880];
	_ =	sdelay $0x1  }
0x5c: {  	v38 =	vld [tilespmem:s31+$0x2900];
	_ =	sdelay $0x1  }
0x5d: {  	v39 =	vld [tilespmem:s31+$0x2980]  }
0x5e: {  	v36 =	vmul.f32 v36, v34;
	v37 =	vmul.f32 v37, v35  }
0x5f: {  	v40 =	vld [tilespmem:s31+$0x2A00]  }
0x60: {  	v36 =	vadd.f32 v37, v36;
	v37 =	vmul.f32 v38, v33  }
0x61: {  	v38 =	vld [tilespmem:s31+$0x2A80]  }
0x62: {  	v36 =	vadd.f32 v37, v36;
	v37 =	vmul.f32 v39, v32  }
0x63: {  	s21 =	sor.u32 s0, s29;
	s29 =	smov.u32 s2;
	v39 =	vld [tilespmem:s31+$0x2B00]  }
0x64: {  	s21 =	sor.u32 $0x380, s21;
	v36 =	vadd.f32 v37, v36;
	v37 =	vmul.f32 v40, v31  }
0x65: {  	v40 =	vld [tilespmem:s21+$0x2800]  }
0x66: {  	v36 =	vadd.f32 v37, v36;
	v37 =	vmul.f32 v38, v29  }
0x67: {  	v38 =	vld [tilespmem:s31+$0x4000]  }
0x68: {  	v36 =	vadd.f32 v37, v36;
	v37 =	vmul.f32 v39, v30  }
0x69: {  	v39 =	vld [tilespmem:s31+$0x4080]  }
0x6a: {  	v36 =	vadd.f32 v37, v36;
	v37 =	vmul.f32 v40, v28  }
0x6b: {  	v40 =	vld [tilespmem:s31+$0x4100]  }
0x6c: {  	v36 =	vadd.f32 v37, v36;
	v37 =	vmul.f32 v38, v27  }
0x6d: {  	v38 =	vld [tilespmem:s31+$0x4180]  }
0x6e: {  	v36 =	vadd.f32 v37, v36;
	v37 =	vmul.f32 v39, v25  }
0x6f: {  	v39 =	vld [tilespmem:s31+$0x4200]  }
0x70: {  	v36 =	vadd.f32 v37, v36;
	v37 =	vmul.f32 v40, v26  }
0x71: {  	v40 =	vld [tilespmem:s31+$0x4280]  }
0x72: {  	v36 =	vadd.f32 v37, v36;
	v37 =	vmul.f32 v38, v24  }
0x73: {  	v38 =	vld [tilespmem:s31+$0x4300]  }
0x74: {  	v36 =	vadd.f32 v37, v36;
	v37 =	vmul.f32 v39, v22  }
0x75: {  	v39 =	vld [tilespmem:s31+$0x4380]  }
0x76: {  	v36 =	vadd.f32 v37, v36;
	v37 =	vmul.f32 v40, v20;
	_ =	sdelay $0x1  }
0x77: {  	v36 =	vadd.f32 v37, v36;
	v37 =	vmul.f32 v38, v23;
	_ =	sdelay $0x1  }
.Ltmp2:
0x78: {  	v36 =	vadd.f32 v37, v36;
	v37 =	vmul.f32 v39, v21;
	(pc) =	sbr.rel @p0 .LBB2_7-.Ltmp2, $4  }
0x79: {  	_ = 	snop  }
0x7a: {  	s0 =	sadd.s32 $0x80, s0;
	s21 =	sadd.s32 s30, s26;
	v36 =	vadd.f32 v37, v36  }
0x7b: {  	s30 =	sand.u32 $0x1C00, s0;
	s21 =	sadd.s32 s28, s21;
	s28 =	sand.u32 $0x70, s2  }
0x7c: {  	s2 =	sadd.s32 $0x10, s2;
	s31 =	sor.u32 s28, s30;
	[tilespmem:s21+$0x0] =	vst v36  }
0x7d: {  	v36 =	vld [tilespmem:s31+$0x2800]  }
0x7e: {  	v37 =	vld [tilespmem:s31+$0x2880];
	_ =	sdelay $0x1  }
0x7f: {  	v38 =	vld [tilespmem:s31+$0x2900];
	_ =	sdelay $0x1  }
0x80: {  	v39 =	vld [tilespmem:s31+$0x2980]  }
0x81: {  	v34 =	vmul.f32 v36, v34;
	v35 =	vmul.f32 v37, v35  }
0x82: {  	v51 =	vld [tilespmem:s31+$0x2A00]  }
0x83: {  	v33 =	vmul.f32 v38, v33;
	v34 =	vadd.f32 v35, v34  }
0x84: {  	v52 =	vld [tilespmem:s31+$0x2A80]  }
0x85: {  	v32 =	vmul.f32 v39, v32;
	v33 =	vadd.f32 v33, v34  }
0x86: {  	v53 =	vld [tilespmem:s31+$0x2B00];
	s0 =	sor.u32 s0, s29  }
0x87: {  	s0 =	sor.u32 $0x380, s0;
	v31 =	vmul.f32 v51, v31;
	v32 =	vadd.f32 v32, v33  }
0x88: {  	v54 =	vld [tilespmem:s0+$0x2800]  }
0x89: {  	v29 =	vmul.f32 v52, v29;
	v31 =	vadd.f32 v31, v32  }
0x8a: {  	v55 =	vld [tilespmem:s31+$0x4000]  }
0x8b: {  	v30 =	vmul.f32 v53, v30;
	v29 =	vadd.f32 v29, v31  }
0x8c: {  	v56 =	vld [tilespmem:s31+$0x4080]  }
0x8d: {  	v28 =	vmul.f32 v54, v28;
	v29 =	vadd.f32 v30, v29  }
0x8e: {  	v57 =	vld [tilespmem:s31+$0x4100]  }
0x8f: {  	v27 =	vmul.f32 v55, v27;
	v28 =	vadd.f32 v28, v29  }
0x90: {  	v58 =	vld [tilespmem:s31+$0x4180]  }
0x91: {  	v25 =	vmul.f32 v56, v25;
	v27 =	vadd.f32 v27, v28  }
0x92: {  	v59 =	vld [tilespmem:s31+$0x4200]  }
0x93: {  	v26 =	vmul.f32 v57, v26;
	v25 =	vadd.f32 v25, v27  }
0x94: {  	v60 =	vld [tilespmem:s31+$0x4280]  }
0x95: {  	v24 =	vmul.f32 v58, v24;
	v25 =	vadd.f32 v26, v25  }
0x96: {  	v61 =	vld [tilespmem:s31+$0x4300]  }
0x97: {  	v22 =	vmul.f32 v59, v22;
	v24 =	vadd.f32 v24, v25  }
0x98: {  	v62 =	vld [tilespmem:s31+$0x4380]  }
0x99: {  	v20 =	vmul.f32 v60, v20;
	v22 =	vadd.f32 v22, v24;
	_ =	sdelay $0x1  }
0x9a: {  	s25 =	sadd.s32 $0x1, s25;
	v63 =	vmul.f32 v61, v23;
	v20 =	vadd.f32 v20, v22  }
0x9b: {  	p0 =	sne.s32 s25, $0x40  }
.Ltmp3:
0x9c: {  	v21 =	vmul.f32 v62, v21;
	v20 =	vadd.f32 v63, v20;
	(pc) =	sbr.rel @p0 .LBB2_2-.Ltmp3, $4  }
0x9d: {  	_ = 	snop  }
0x9e: {  	s31 =	sadd.s32 s30, s26;
	v20 =	vadd.f32 v21, v20  }
0x9f: {  	s0 =	sadd.s32 s28, s31  }
0xa0: {  	[tilespmem:s0+$0x0] =	vst v20  }
0xa1: {  	s0 =	simm.s32 $0x13800  }
0xa2: {  	[hbm4b:s9+s3] =	stream.linear.scatter [tilespmem:s0], [sflag:$0x2], $0x2000, $0x38;
	[tilespmem:$0x15800] =	vst v63  }
0xa3: {  	_ =	swait.ge [sflag:s13], $0x2000  }
0xa4: {  	[sflag:s13] =	ssyncset.done $0x0  }
0xa5: {  	[sflag:s13] =	ssyncadd.s32 $0xFFFFE000  }
0xa6: {  	[hbm4b:s10+s3] =	stream.linear.scatter [tilespmem:s22], [sflag:$0x2], $0x2000, $0x38;
	[tilespmem:$0x15800] =	vst v63  }
0xa7: {  	s24 =	sadd.s32 $0x1, s24;
	_ =	swait.ge [sflag:s13], $0x2000  }
0xa8: {  	p0 =	sne.s32 s24, s12;
	[sflag:s13] =	ssyncset.done $0x0  }
.Ltmp4:
0xa9: {  	[sflag:s13] =	ssyncadd.s32 $0xFFFFE000;
	(pc) =	sbr.rel @p0 .LBB2_1-.Ltmp4, $4  }
0xaa: {  	[hbm4b:s11+s3] =	stream.linear.scatter [tilespmem:s23], [sflag:$0x2], $0xC000, $0x38;
	[tilespmem:$0x15800] =	vst v63  }
0xab: {  	_ =	swait.ge [sflag:s13], $0xC000  }
0xac: {  	[sflag:s13] =	ssyncset.done $0x0  }
0xad: {  	[sflag:s13] =	ssyncadd.s32 $0xFFFF4000  }
0xae: {  	_ =	sfence.sel $0x180000  }
0xaf: {  	[bflag:$0x0] =	sbarrier.arrive $0xFFFF  }
0xb0: {  	_ =	strace $0x90000047  }
0xb1: {  	s0 =	stileid.u32;
	[bflag:$0x2] =	sbarrier.arrive $0xFFFF  }
0xb2: {  	p0 =	sne.s32 s0, $0x0;
	s0 =	rddreg [dreg:$0x3]  }
0xb3: {  	s0 =	sadd.s32 @!p0 $0x100000, s0  }
0xb4: {  	[sflag:s0] =	ssyncadd.tile.s32 @!p0 $0x1;
	_ =	shalt  }
.Lfunc_end2:
_tile_overlayer_lowered:
.L_overlay_start_2:
0xb5: {  	(tag) =	ssettag $0x2  }
0xb6: {  	s0 =	rddreg [dreg:$0x0];
	s2 =	stileid.u32  }
0xb7: {  	s1 =	rddreg [dreg:$0x1];
	p0 =	sne.s32 s2, $0x0  }
0xb8: {  	s3 =	rddreg [dreg:$0x2];
	[bflag:$0x3] =	sbarrier.arrive $0xFFFF;
	s2 =	simm.s32 @!p0 $0x1C02  }
0xb9: {  	[timem:s3], [sflag:s2] =	dma.local @!p0 [hbm:s0], s1  }
0xba: {  	s0 =	simm.s32 @!p0 $0x2  }
0xbb: {  	_ =	swait.ge @!p0 [sflag:s0], s1  }
0xbc: {  	s1 =	ssub.s32 @!p0 $0x0, s1;
	[sflag:s0] =	ssyncset.done @!p0 $0x0  }
0xbd: {  	[sflag:s0] =	ssyncadd.s32 @!p0 s1  }
0xbe: {  	[bflag:$0x3] =	sbarrier.arrive $0xFFFF  }
0xbf: {  	_ =	shalt  }

</sc_bundles>
